<compile_context>
chip_gen: v7x
topology: tpu7x:2x2x1
jax: 0.10.2.dev20260603
libtpu: 0.0.44.dev20260713+nightly
codegen_flags: <defaults>
</compile_context>

<pallas_src>
import functools

import jax
import jax.numpy as jnp
from jax import lax
from jax.experimental import pallas as pl
from jax.experimental.pallas import tpu as pltpu
from jax.experimental.pallas import tpu_sc as plsc

NW = 32
NTILE = 16
CHUNK = 125
RB = 1000
DEGW = 16



@functools.lru_cache(maxsize=None)
def _deg_pass(n_pad, e):
    chunks = e // (NW * CHUNK)
    rpt = n_pad // NTILE
    mesh = plsc.VectorSubcoreMesh(core_axis_name="c", subcore_axis_name="s")

    @functools.partial(
        pl.kernel,
        mesh=mesh,
        out_type=jax.ShapeDtypeStruct((2, n_pad, DEGW), jnp.float32),
        scratch_types=[
            pltpu.VMEM((chunks, CHUNK), jnp.int32),
            pltpu.VMEM((CHUNK, DEGW), jnp.float32),
            pltpu.VMEM_SHARED((n_pad, DEGW), jnp.float32),
        ],
    )
    def deg_kernel(dst_hbm, ones_hbm, zero_hbm, out_hbm, dst_v, ones_v, acc):
        c = lax.axis_index("c")
        s = lax.axis_index("s")
        wid = s * 2 + c
        r0 = s * rpt
        pltpu.sync_copy(dst_hbm.at[wid], dst_v)
        pltpu.sync_copy(ones_hbm, ones_v)
        pltpu.sync_copy(zero_hbm.at[pl.ds(r0, rpt)], acc.at[pl.ds(r0, rpt)])
        plsc.subcore_barrier()

        def body(j, carry):
            pltpu.sync_copy(ones_v, acc.at[dst_v.at[j]], add=True)
            return carry

        lax.fori_loop(0, chunks, body, 0)
        plsc.subcore_barrier()
        pltpu.sync_copy(acc.at[pl.ds(r0, rpt)], out_hbm.at[c, pl.ds(r0, rpt)])

    return deg_kernel


@functools.lru_cache(maxsize=None)
def _edge_pass(n_pad, f, e):
    chunks = e // (NW * CHUNK)
    rpt = n_pad // NTILE
    mesh = plsc.VectorSubcoreMesh(core_axis_name="c", subcore_axis_name="s")

    @functools.partial(
        pl.kernel,
        mesh=mesh,
        out_type=jax.ShapeDtypeStruct((2, n_pad, f), jnp.float32),
        scratch_types=[
            pltpu.VMEM((chunks, CHUNK), jnp.int32),
            pltpu.VMEM((chunks, CHUNK), jnp.int32),
            pltpu.VMEM((CHUNK, f), jnp.float32),
            pltpu.VMEM_SHARED((n_pad, f), jnp.float32),
            pltpu.SemaphoreType.DMA,
        ],
    )
    def edge_kernel(g_hbm, src_hbm, dst_hbm, zero_hbm, out_hbm,
                    src_v, dst_v, rows_v, acc, sem):
        c = lax.axis_index("c")
        s = lax.axis_index("s")
        wid = s * 2 + c
        r0 = s * rpt
        pltpu.sync_copy(src_hbm.at[wid], src_v)
        pltpu.sync_copy(dst_hbm.at[wid], dst_v)
        pltpu.sync_copy(zero_hbm.at[pl.ds(r0, rpt)], acc.at[pl.ds(r0, rpt)])
        plsc.subcore_barrier()

        def body(j, carry):
            pltpu.async_copy(g_hbm.at[src_v.at[j]], rows_v, sem).wait()
            pltpu.sync_copy(rows_v, acc.at[dst_v.at[j]], add=True)
            return carry

        lax.fori_loop(0, chunks, body, 0)
        plsc.subcore_barrier()
        pltpu.sync_copy(acc.at[pl.ds(r0, rpt)], out_hbm.at[c, pl.ds(r0, rpt)])

    return edge_kernel



def _dinv_of(deg_ref):
    dp = deg_ref[0, :, 0:1] + deg_ref[1, :, 0:1] + 1.0
    return lax.rsqrt(dp)


def _g1_body(deg_ref, x_ref, w_ref, out_ref):
    dinv = _dinv_of(deg_ref)
    h = jnp.dot(x_ref[...], w_ref[...], preferred_element_type=jnp.float32)
    out_ref[...] = h * dinv


def _g2_body(deg_ref, p_ref, g1_ref, b1_ref, w2_ref, out_ref):
    dinv = _dinv_of(deg_ref)
    z = dinv * (p_ref[0] + p_ref[1] + g1_ref[...]) + b1_ref[...]
    z = jnp.maximum(z, 0.0)
    h2 = jnp.dot(z, w2_ref[...], preferred_element_type=jnp.float32)
    out_ref[...] = h2 * dinv


def _out_body(c, deg_ref, q_ref, g2_ref, b2_ref, out_ref):
    dinv = _dinv_of(deg_ref)
    o = dinv * (q_ref[0] + q_ref[1] + g2_ref[...]) + b2_ref[...]
    o = o[:, :c]
    m = jnp.max(o, axis=1, keepdims=True)
    ex = jnp.exp(o - m)
    lse = jnp.log(jnp.sum(ex, axis=1, keepdims=True))
    out_ref[...] = o - m - lse


def _deg_spec():
    return pl.BlockSpec((2, RB, DEGW), lambda b: (0, b, 0))


def _tc_g1(deg_parts, x, w1):
    n, d = x.shape
    h = w1.shape[1]
    return pl.pallas_call(
        _g1_body,
        grid=(n // RB,),
        in_specs=[
            _deg_spec(),
            pl.BlockSpec((RB, d), lambda b: (b, 0)),
            pl.BlockSpec((d, h), lambda b: (0, 0)),
        ],
        out_specs=pl.BlockSpec((RB, h), lambda b: (b, 0)),
        out_shape=jax.ShapeDtypeStruct((n, h), jnp.float32),
    )(deg_parts, x, w1)


def _tc_g2(deg_parts, p1, g1, b1r, w2p):
    n, h = g1.shape
    f2 = w2p.shape[1]
    return pl.pallas_call(
        _g2_body,
        grid=(n // RB,),
        in_specs=[
            _deg_spec(),
            pl.BlockSpec((2, RB, h), lambda b: (0, b, 0)),
            pl.BlockSpec((RB, h), lambda b: (b, 0)),
            pl.BlockSpec((1, h), lambda b: (0, 0)),
            pl.BlockSpec((h, f2), lambda b: (0, 0)),
        ],
        out_specs=pl.BlockSpec((RB, f2), lambda b: (b, 0)),
        out_shape=jax.ShapeDtypeStruct((n, f2), jnp.float32),
    )(deg_parts, p1, g1, b1r, w2p)


def _tc_out(deg_parts, q2, g2, b2r, c):
    n, f2 = g2.shape
    return pl.pallas_call(
        functools.partial(_out_body, c),
        grid=(n // RB,),
        in_specs=[
            _deg_spec(),
            pl.BlockSpec((2, RB, f2), lambda b: (0, b, 0)),
            pl.BlockSpec((RB, f2), lambda b: (b, 0)),
            pl.BlockSpec((1, f2), lambda b: (0, 0)),
        ],
        out_specs=pl.BlockSpec((RB, c), lambda b: (b, 0)),
        out_shape=jax.ShapeDtypeStruct((n, c), jnp.float32),
    )(deg_parts, q2, g2, b2r)



def kernel(x, edge_index, W1, b1, W2, b2):
    n, d = x.shape
    e = edge_index.shape[1]
    h = W1.shape[1]
    c = W2.shape[1]
    chunks = e // (NW * CHUNK)
    assert chunks * NW * CHUNK == e and n % RB == 0
    n_pad = -(-n // 128) * 128

    f2 = 128
    w2p = jnp.pad(W2, ((0, 0), (0, f2 - c)))
    b2r = jnp.pad(b2, (0, f2 - c)).reshape(1, f2)
    b1r = b1.reshape(1, h)

    src = edge_index[0].reshape(NW, chunks, CHUNK)
    dst = edge_index[1].reshape(NW, chunks, CHUNK)
    ones_deg = jnp.ones((CHUNK, DEGW), jnp.float32)
    zero_deg = jnp.zeros((n_pad, DEGW), jnp.float32)
    zero_h = jnp.zeros((n_pad, h), jnp.float32)
    zero_f2 = jnp.zeros((n_pad, f2), jnp.float32)

    deg_parts = _deg_pass(n_pad, e)(dst, ones_deg, zero_deg)
    g1 = _tc_g1(deg_parts, x, W1)
    p1 = _edge_pass(n_pad, h, e)(g1, src, dst, zero_h)
    g2 = _tc_g2(deg_parts, p1, g1, b1r, w2p)
    q2 = _edge_pass(n_pad, f2, e)(g2, src, dst, zero_f2)
    return _tc_out(deg_parts, q2, g2, b2r, c)

# --- scband reference (transcript-rebuilt; emitter-appended) ---
"""Pipeline reference for scband-net-gcn-11914239279707 (READ-ONLY COPY).

The authoritative reference and input builder live on the scoring server;
editing this copy changes nothing except your own understanding.
"""

import jax, jax.numpy as jnp
import numpy as np

N = 10000
E = 320000
D = 128
H = 128
C = 40


def _gcn_layer(x, src, dst, W, b):
    n = x.shape[0]
    loop = jnp.arange(n, dtype=src.dtype)
    s = jnp.concatenate([src, loop])
    d = jnp.concatenate([dst, loop])
    h = x @ W
    deg = jax.ops.segment_sum(jnp.ones(s.shape[0], dtype=h.dtype), d, num_segments=n)
    dinv = jnp.where(deg > 0, 1.0 / jnp.sqrt(deg), 0.0)
    norm = dinv[s] * dinv[d]
    msg = h[s] * norm[:, None]
    out = jax.ops.segment_sum(msg, d, num_segments=n)
    return out + b


def setup_inputs(seed: int = 0) -> dict:
    key = jax.random.key(seed)
    k1, k2, k3, k4, k5, k6 = jax.random.split(key, 6)
    x = jax.random.normal(k1, (N, D), dtype=jnp.float32)
    edge_index = jax.random.randint(k2, (2, E), 0, N, dtype=jnp.int32)
    W1 = jax.random.normal(k3, (D, H), dtype=jnp.float32) * (1.0 / np.sqrt(D))
    b1 = jnp.zeros((H,), dtype=jnp.float32)
    W2 = jax.random.normal(k4, (H, C), dtype=jnp.float32) * (1.0 / np.sqrt(H))
    b2 = jnp.zeros((C,), dtype=jnp.float32)
    return {"x": x, "edge_index": edge_index, "W1": W1, "b1": b1, "W2": W2, "b2": b2}


def reference(x, edge_index, W1, b1, W2, b2):
    src = edge_index[0]
    dst = edge_index[1]
    h = _gcn_layer(x, src, dst, W1, b1)
    h = jax.nn.relu(h)
    h = _gcn_layer(h, src, dst, W2, b2)
    return jax.nn.log_softmax(h, axis=1)

if __name__ == "__main__":
    import jax
    _d = setup_inputs()
    print(jax.jit(kernel)(*tuple(_d.values())))

</pallas_src>

<mosaic_0001>
#map = affine_map<(d0, d1) -> (0, 0, 0)>
#map1 = affine_map<(d0, d1) -> (0, 0)>
module attributes {stable_mosaic.version = 14 : i64} {
  func.func @deg_kernel(%arg0: i32, %arg1: i32, %arg2: memref<32x80x125xi32, #tpu.memory_space<hbm>>, %arg3: memref<125x16xf32, #tpu.memory_space<hbm>>, %arg4: memref<10112x16xf32, #tpu.memory_space<hbm>>, %arg5: memref<2x10112x16xf32, #tpu.memory_space<hbm>>, %arg6: memref<80x125xi32, #tpu.memory_space<vmem>>, %arg7: memref<125x16xf32, #tpu.memory_space<vmem>>, %arg8: memref<10112x16xf32, #tpu.memory_space<vmem_shared>>) attributes {dimension_semantics = [#tpu.dimension_semantics<core_parallel>, #tpu.dimension_semantics<subcore_parallel>], iteration_bounds = array<i64: 2, 16>, scalar_prefetch = 0 : i64, scratch_operands = 3 : i64, tpu.core_type = #tpu.core_type<sc_vector_subcore>, window_params = [{transform_indices = #map}, {transform_indices = #map1}, {transform_indices = #map1}, {transform_indices = #map}]} {
    %mul3A = arith.constant 2 : i32
    %mul3A_0 = arith.muli %arg1, %mul3A : i32
    %add3A = arith.addi %mul3A_0, %arg0 : i32
    %mul3A_1 = arith.constant 632 : i32
    %mul3A_2 = arith.muli %arg1, %mul3A_1 : i32
    "tpu.region"() ({
      %run_scoped3A = tpu.sem_alloc : memref<!tpu.dma_semaphore, #tpu.memory_space<semaphore_mem>>
      %dma_start3A = arith.constant 0 : i32
      %dma_start3A_9 = arith.constant 0 : i32
      %dma_start3A_10 = tpu.memref_slice %arg2[%add3A, %dma_start3A, %dma_start3A_9] : memref<32x80x125xi32, #tpu.memory_space<hbm>> -> memref<1x80x125xi32, #tpu.memory_space<hbm>>
      %dma_start3A_11 = tpu.memref_squeeze %dma_start3A_10 : memref<1x80x125xi32, #tpu.memory_space<hbm>> -> memref<80x125xi32, #tpu.memory_space<hbm>>
      %dma_start3A_12 = arith.constant 0 : i32
      %dma_start3A_13 = arith.constant 0 : i32
      %dma_start3A_14 = tpu.memref_slice %arg2[%add3A, %dma_start3A_12, %dma_start3A_13] : memref<32x80x125xi32, #tpu.memory_space<hbm>> -> memref<1x80x125xi32, #tpu.memory_space<hbm>>
      %dma_start3A_15 = tpu.memref_squeeze %dma_start3A_14 : memref<1x80x125xi32, #tpu.memory_space<hbm>> -> memref<80x125xi32, #tpu.memory_space<hbm>>
      tpu.enqueue_dma source(%dma_start3A_15 : memref<80x125xi32, #tpu.memory_space<hbm>>) target(%arg6 : memref<80x125xi32, #tpu.memory_space<vmem>>) target_semaphore(%run_scoped3A : memref<!tpu.dma_semaphore, #tpu.memory_space<semaphore_mem>>)
      %dma_wait3A = arith.constant 0 : i32
      %dma_wait3A_16 = arith.constant 0 : i32
      %dma_wait3A_17 = tpu.memref_slice %arg2[%add3A, %dma_wait3A, %dma_wait3A_16] : memref<32x80x125xi32, #tpu.memory_space<hbm>> -> memref<1x80x125xi32, #tpu.memory_space<hbm>>
      %dma_wait3A_18 = tpu.memref_squeeze %dma_wait3A_17 : memref<1x80x125xi32, #tpu.memory_space<hbm>> -> memref<80x125xi32, #tpu.memory_space<hbm>>
      %dma_wait3A_19 = arith.constant 0 : i32
      %dma_wait3A_20 = arith.constant 0 : i32
      %dma_wait3A_21 = tpu.memref_slice %arg2[%add3A, %dma_wait3A_19, %dma_wait3A_20] : memref<32x80x125xi32, #tpu.memory_space<hbm>> -> memref<1x80x125xi32, #tpu.memory_space<hbm>>
      %dma_wait3A_22 = tpu.memref_squeeze %dma_wait3A_21 : memref<1x80x125xi32, #tpu.memory_space<hbm>> -> memref<80x125xi32, #tpu.memory_space<hbm>>
      tpu.wait_dma2 semaphore(%run_scoped3A : memref<!tpu.dma_semaphore, #tpu.memory_space<semaphore_mem>>) src(%dma_wait3A_22 : memref<80x125xi32, #tpu.memory_space<hbm>>) dst(%arg6 : memref<80x125xi32, #tpu.memory_space<vmem>>)
      tpu.yield
    }) : () -> ()
    "tpu.region"() ({
      %run_scoped3A = tpu.sem_alloc : memref<!tpu.dma_semaphore, #tpu.memory_space<semaphore_mem>>
      tpu.enqueue_dma source(%arg3 : memref<125x16xf32, #tpu.memory_space<hbm>>) target(%arg7 : memref<125x16xf32, #tpu.memory_space<vmem>>) target_semaphore(%run_scoped3A : memref<!tpu.dma_semaphore, #tpu.memory_space<semaphore_mem>>)
      tpu.wait_dma2 semaphore(%run_scoped3A : memref<!tpu.dma_semaphore, #tpu.memory_space<semaphore_mem>>) src(%arg3 : memref<125x16xf32, #tpu.memory_space<hbm>>) dst(%arg7 : memref<125x16xf32, #tpu.memory_space<vmem>>)
      tpu.yield
    }) : () -> ()
    "tpu.region"() ({
      %run_scoped3A = tpu.sem_alloc : memref<!tpu.dma_semaphore, #tpu.memory_space<semaphore_mem>>
      %dma_start3A = arith.constant 0 : i32
      %dma_start3A_9 = tpu.memref_slice %arg8[%mul3A_2, %dma_start3A] : memref<10112x16xf32, #tpu.memory_space<vmem_shared>> -> memref<632x16xf32, #tpu.memory_space<vmem_shared>>
      %dma_start3A_10 = arith.constant 0 : i32
      %dma_start3A_11 = tpu.memref_slice %arg4[%mul3A_2, %dma_start3A_10] : memref<10112x16xf32, #tpu.memory_space<hbm>> -> memref<632x16xf32, #tpu.memory_space<hbm>>
      tpu.enqueue_dma source(%dma_start3A_11 : memref<632x16xf32, #tpu.memory_space<hbm>>) target(%dma_start3A_9 : memref<632x16xf32, #tpu.memory_space<vmem_shared>>) target_semaphore(%run_scoped3A : memref<!tpu.dma_semaphore, #tpu.memory_space<semaphore_mem>>)
      %dma_wait3A = arith.constant 0 : i32
      %dma_wait3A_12 = tpu.memref_slice %arg8[%mul3A_2, %dma_wait3A] : memref<10112x16xf32, #tpu.memory_space<vmem_shared>> -> memref<632x16xf32, #tpu.memory_space<vmem_shared>>
      %dma_wait3A_13 = arith.constant 0 : i32
      %dma_wait3A_14 = tpu.memref_slice %arg4[%mul3A_2, %dma_wait3A_13] : memref<10112x16xf32, #tpu.memory_space<hbm>> -> memref<632x16xf32, #tpu.memory_space<hbm>>
      tpu.wait_dma2 semaphore(%run_scoped3A : memref<!tpu.dma_semaphore, #tpu.memory_space<semaphore_mem>>) src(%dma_wait3A_14 : memref<632x16xf32, #tpu.memory_space<hbm>>) dst(%dma_wait3A_12 : memref<632x16xf32, #tpu.memory_space<vmem_shared>>)
      tpu.yield
    }) : () -> ()
    %barrier3A = arith.constant 0 : index
    tpu.barrier barrier_id(%barrier3A)
    %scan3A = arith.constant 0 : i32
    %scan3A_3 = arith.constant 0 : i32
    %scan3A_4 = arith.constant 80 : i32
    %scan3A_5 = arith.addi %scan3A_3, %scan3A_4 : i32
    %scan3A_6 = arith.constant 1 : i32
    scf.for %scan3A_9 = %scan3A_3 to %scan3A_5 step %scan3A_6  : i32 {
      "tpu.region"() ({
        %run_scoped3A = tpu.sem_alloc : memref<!tpu.dma_semaphore, #tpu.memory_space<semaphore_mem>>
        %dma_start3A = arith.constant 0 : i32
        %dma_start3A_10 = tpu.memref_slice %arg6[%scan3A_9, %dma_start3A] : memref<80x125xi32, #tpu.memory_space<vmem>> -> memref<1x125xi32, #tpu.memory_space<vmem>>
        %dma_start3A_11 = tpu.memref_squeeze %dma_start3A_10 : memref<1x125xi32, #tpu.memory_space<vmem>> -> memref<125xi32, #tpu.memory_space<vmem>>
        %dma_start3A_12 = arith.constant 0 : i32
        %dma_start3A_13 = arith.constant 0 : i32
        %dma_start3A_14 = tpu.memref_slice %arg8[%dma_start3A_12, %dma_start3A_13] : memref<10112x16xf32, #tpu.memory_space<vmem_shared>> -> memref<10112x16xf32, #tpu.memory_space<vmem_shared>>
        tpu.enqueue_indirect_dma source(%arg7 : memref<125x16xf32, #tpu.memory_space<vmem>>) target(%dma_start3A_14 : memref<10112x16xf32, #tpu.memory_space<vmem_shared>>) offsets(%dma_start3A_11 : memref<125xi32, #tpu.memory_space<vmem>>) semaphore(%run_scoped3A : memref<!tpu.dma_semaphore, #tpu.memory_space<semaphore_mem>>) {add = true}
        %dma_wait3A = arith.constant 0 : i32
        %dma_wait3A_15 = tpu.memref_slice %arg6[%scan3A_9, %dma_wait3A] : memref<80x125xi32, #tpu.memory_space<vmem>> -> memref<1x125xi32, #tpu.memory_space<vmem>>
        %dma_wait3A_16 = tpu.memref_squeeze %dma_wait3A_15 : memref<1x125xi32, #tpu.memory_space<vmem>> -> memref<125xi32, #tpu.memory_space<vmem>>
        %dma_wait3A_17 = arith.constant 0 : i32
        %dma_wait3A_18 = arith.constant 0 : i32
        %dma_wait3A_19 = tpu.memref_slice %arg8[%dma_wait3A_17, %dma_wait3A_18] : memref<10112x16xf32, #tpu.memory_space<vmem_shared>> -> memref<10112x16xf32, #tpu.memory_space<vmem_shared>>
        tpu.wait_indirect_dma semaphore(%run_scoped3A : memref<!tpu.dma_semaphore, #tpu.memory_space<semaphore_mem>>) src(%arg7 : memref<125x16xf32, #tpu.memory_space<vmem>>) dst(%dma_wait3A_19 : memref<10112x16xf32, #tpu.memory_space<vmem_shared>>)
        tpu.yield
      }) : () -> ()
    }
    %scan3A_7 = arith.constant 80 : i32
    %barrier3A_8 = arith.constant 0 : index
    tpu.barrier barrier_id(%barrier3A_8)
    "tpu.region"() ({
      %run_scoped3A = tpu.sem_alloc : memref<!tpu.dma_semaphore, #tpu.memory_space<semaphore_mem>>
      %dma_start3A = arith.constant 0 : i32
      %dma_start3A_9 = tpu.memref_slice %arg5[%arg0, %mul3A_2, %dma_start3A] : memref<2x10112x16xf32, #tpu.memory_space<hbm>> -> memref<1x632x16xf32, #tpu.memory_space<hbm>>
      %dma_start3A_10 = tpu.memref_squeeze %dma_start3A_9 : memref<1x632x16xf32, #tpu.memory_space<hbm>> -> memref<632x16xf32, #tpu.memory_space<hbm>>
      %dma_start3A_11 = arith.constant 0 : i32
      %dma_start3A_12 = tpu.memref_slice %arg8[%mul3A_2, %dma_start3A_11] : memref<10112x16xf32, #tpu.memory_space<vmem_shared>> -> memref<632x16xf32, #tpu.memory_space<vmem_shared>>
      tpu.enqueue_dma source(%dma_start3A_12 : memref<632x16xf32, #tpu.memory_space<vmem_shared>>) target(%dma_start3A_10 : memref<632x16xf32, #tpu.memory_space<hbm>>) target_semaphore(%run_scoped3A : memref<!tpu.dma_semaphore, #tpu.memory_space<semaphore_mem>>)
      %dma_wait3A = arith.constant 0 : i32
      %dma_wait3A_13 = tpu.memref_slice %arg5[%arg0, %mul3A_2, %dma_wait3A] : memref<2x10112x16xf32, #tpu.memory_space<hbm>> -> memref<1x632x16xf32, #tpu.memory_space<hbm>>
      %dma_wait3A_14 = tpu.memref_squeeze %dma_wait3A_13 : memref<1x632x16xf32, #tpu.memory_space<hbm>> -> memref<632x16xf32, #tpu.memory_space<hbm>>
      %dma_wait3A_15 = arith.constant 0 : i32
      %dma_wait3A_16 = tpu.memref_slice %arg8[%mul3A_2, %dma_wait3A_15] : memref<10112x16xf32, #tpu.memory_space<vmem_shared>> -> memref<632x16xf32, #tpu.memory_space<vmem_shared>>
      tpu.wait_dma2 semaphore(%run_scoped3A : memref<!tpu.dma_semaphore, #tpu.memory_space<semaphore_mem>>) src(%dma_wait3A_16 : memref<632x16xf32, #tpu.memory_space<vmem_shared>>) dst(%dma_wait3A_14 : memref<632x16xf32, #tpu.memory_space<hbm>>)
      tpu.yield
    }) : () -> ()
    return
  }
}

#map = affine_map<(d0, d1) -> (0, 0)>
#map1 = affine_map<(d0, d1) -> (0, 0, 0)>
module attributes {stable_mosaic.version = 14 : i64} {
  func.func @edge_kernel(%arg0: i32, %arg1: i32, %arg2: memref<10000x128xf32, #tpu.memory_space<hbm>>, %arg3: memref<32x80x125xi32, #tpu.memory_space<hbm>>, %arg4: memref<32x80x125xi32, #tpu.memory_space<hbm>>, %arg5: memref<10112x128xf32, #tpu.memory_space<hbm>>, %arg6: memref<2x10112x128xf32, #tpu.memory_space<hbm>>, %arg7: memref<80x125xi32, #tpu.memory_space<vmem>>, %arg8: memref<80x125xi32, #tpu.memory_space<vmem>>, %arg9: memref<125x128xf32, #tpu.memory_space<vmem>>, %arg10: memref<10112x128xf32, #tpu.memory_space<vmem_shared>>, %arg11: memref<!tpu.dma_semaphore, #tpu.memory_space<semaphore_mem>>) attributes {dimension_semantics = [#tpu.dimension_semantics<core_parallel>, #tpu.dimension_semantics<subcore_parallel>], iteration_bounds = array<i64: 2, 16>, scalar_prefetch = 0 : i64, scratch_operands = 5 : i64, tpu.core_type = #tpu.core_type<sc_vector_subcore>, window_params = [{transform_indices = #map}, {transform_indices = #map1}, {transform_indices = #map1}, {transform_indices = #map}, {transform_indices = #map1}]} {
    %mul3A = arith.constant 2 : i32
    %mul3A_0 = arith.muli %arg1, %mul3A : i32
    %add3A = arith.addi %mul3A_0, %arg0 : i32
    %mul3A_1 = arith.constant 632 : i32
    %mul3A_2 = arith.muli %arg1, %mul3A_1 : i32
    "tpu.region"() ({
      %run_scoped3A = tpu.sem_alloc : memref<!tpu.dma_semaphore, #tpu.memory_space<semaphore_mem>>
      %dma_start3A = arith.constant 0 : i32
      %dma_start3A_9 = arith.constant 0 : i32
      %dma_start3A_10 = tpu.memref_slice %arg3[%add3A, %dma_start3A, %dma_start3A_9] : memref<32x80x125xi32, #tpu.memory_space<hbm>> -> memref<1x80x125xi32, #tpu.memory_space<hbm>>
      %dma_start3A_11 = tpu.memref_squeeze %dma_start3A_10 : memref<1x80x125xi32, #tpu.memory_space<hbm>> -> memref<80x125xi32, #tpu.memory_space<hbm>>
      %dma_start3A_12 = arith.constant 0 : i32
      %dma_start3A_13 = arith.constant 0 : i32
      %dma_start3A_14 = tpu.memref_slice %arg3[%add3A, %dma_start3A_12, %dma_start3A_13] : memref<32x80x125xi32, #tpu.memory_space<hbm>> -> memref<1x80x125xi32, #tpu.memory_space<hbm>>
      %dma_start3A_15 = tpu.memref_squeeze %dma_start3A_14 : memref<1x80x125xi32, #tpu.memory_space<hbm>> -> memref<80x125xi32, #tpu.memory_space<hbm>>
      tpu.enqueue_dma source(%dma_start3A_15 : memref<80x125xi32, #tpu.memory_space<hbm>>) target(%arg7 : memref<80x125xi32, #tpu.memory_space<vmem>>) target_semaphore(%run_scoped3A : memref<!tpu.dma_semaphore, #tpu.memory_space<semaphore_mem>>)
      %dma_wait3A = arith.constant 0 : i32
      %dma_wait3A_16 = arith.constant 0 : i32
      %dma_wait3A_17 = tpu.memref_slice %arg3[%add3A, %dma_wait3A, %dma_wait3A_16] : memref<32x80x125xi32, #tpu.memory_space<hbm>> -> memref<1x80x125xi32, #tpu.memory_space<hbm>>
      %dma_wait3A_18 = tpu.memref_squeeze %dma_wait3A_17 : memref<1x80x125xi32, #tpu.memory_space<hbm>> -> memref<80x125xi32, #tpu.memory_space<hbm>>
      %dma_wait3A_19 = arith.constant 0 : i32
      %dma_wait3A_20 = arith.constant 0 : i32
      %dma_wait3A_21 = tpu.memref_slice %arg3[%add3A, %dma_wait3A_19, %dma_wait3A_20] : memref<32x80x125xi32, #tpu.memory_space<hbm>> -> memref<1x80x125xi32, #tpu.memory_space<hbm>>
      %dma_wait3A_22 = tpu.memref_squeeze %dma_wait3A_21 : memref<1x80x125xi32, #tpu.memory_space<hbm>> -> memref<80x125xi32, #tpu.memory_space<hbm>>
      tpu.wait_dma2 semaphore(%run_scoped3A : memref<!tpu.dma_semaphore, #tpu.memory_space<semaphore_mem>>) src(%dma_wait3A_22 : memref<80x125xi32, #tpu.memory_space<hbm>>) dst(%arg7 : memref<80x125xi32, #tpu.memory_space<vmem>>)
      tpu.yield
    }) : () -> ()
    "tpu.region"() ({
      %run_scoped3A = tpu.sem_alloc : memref<!tpu.dma_semaphore, #tpu.memory_space<semaphore_mem>>
      %dma_start3A = arith.constant 0 : i32
      %dma_start3A_9 = arith.constant 0 : i32
      %dma_start3A_10 = tpu.memref_slice %arg4[%add3A, %dma_start3A, %dma_start3A_9] : memref<32x80x125xi32, #tpu.memory_space<hbm>> -> memref<1x80x125xi32, #tpu.memory_space<hbm>>
      %dma_start3A_11 = tpu.memref_squeeze %dma_start3A_10 : memref<1x80x125xi32, #tpu.memory_space<hbm>> -> memref<80x125xi32, #tpu.memory_space<hbm>>
      %dma_start3A_12 = arith.constant 0 : i32
      %dma_start3A_13 = arith.constant 0 : i32
      %dma_start3A_14 = tpu.memref_slice %arg4[%add3A, %dma_start3A_12, %dma_start3A_13] : memref<32x80x125xi32, #tpu.memory_space<hbm>> -> memref<1x80x125xi32, #tpu.memory_space<hbm>>
      %dma_start3A_15 = tpu.memref_squeeze %dma_start3A_14 : memref<1x80x125xi32, #tpu.memory_space<hbm>> -> memref<80x125xi32, #tpu.memory_space<hbm>>
      tpu.enqueue_dma source(%dma_start3A_15 : memref<80x125xi32, #tpu.memory_space<hbm>>) target(%arg8 : memref<80x125xi32, #tpu.memory_space<vmem>>) target_semaphore(%run_scoped3A : memref<!tpu.dma_semaphore, #tpu.memory_space<semaphore_mem>>)
      %dma_wait3A = arith.constant 0 : i32
      %dma_wait3A_16 = arith.constant 0 : i32
      %dma_wait3A_17 = tpu.memref_slice %arg4[%add3A, %dma_wait3A, %dma_wait3A_16] : memref<32x80x125xi32, #tpu.memory_space<hbm>> -> memref<1x80x125xi32, #tpu.memory_space<hbm>>
      %dma_wait3A_18 = tpu.memref_squeeze %dma_wait3A_17 : memref<1x80x125xi32, #tpu.memory_space<hbm>> -> memref<80x125xi32, #tpu.memory_space<hbm>>
      %dma_wait3A_19 = arith.constant 0 : i32
      %dma_wait3A_20 = arith.constant 0 : i32
      %dma_wait3A_21 = tpu.memref_slice %arg4[%add3A, %dma_wait3A_19, %dma_wait3A_20] : memref<32x80x125xi32, #tpu.memory_space<hbm>> -> memref<1x80x125xi32, #tpu.memory_space<hbm>>
      %dma_wait3A_22 = tpu.memref_squeeze %dma_wait3A_21 : memref<1x80x125xi32, #tpu.memory_space<hbm>> -> memref<80x125xi32, #tpu.memory_space<hbm>>
      tpu.wait_dma2 semaphore(%run_scoped3A : memref<!tpu.dma_semaphore, #tpu.memory_space<semaphore_mem>>) src(%dma_wait3A_22 : memref<80x125xi32, #tpu.memory_space<hbm>>) dst(%arg8 : memref<80x125xi32, #tpu.memory_space<vmem>>)
      tpu.yield
    }) : () -> ()
    "tpu.region"() ({
      %run_scoped3A = tpu.sem_alloc : memref<!tpu.dma_semaphore, #tpu.memory_space<semaphore_mem>>
      %dma_start3A = arith.constant 0 : i32
      %dma_start3A_9 = tpu.memref_slice %arg10[%mul3A_2, %dma_start3A] : memref<10112x128xf32, #tpu.memory_space<vmem_shared>> -> memref<632x128xf32, #tpu.memory_space<vmem_shared>>
      %dma_start3A_10 = arith.constant 0 : i32
      %dma_start3A_11 = tpu.memref_slice %arg5[%mul3A_2, %dma_start3A_10] : memref<10112x128xf32, #tpu.memory_space<hbm>> -> memref<632x128xf32, #tpu.memory_space<hbm>>
      tpu.enqueue_dma source(%dma_start3A_11 : memref<632x128xf32, #tpu.memory_space<hbm>>) target(%dma_start3A_9 : memref<632x128xf32, #tpu.memory_space<vmem_shared>>) target_semaphore(%run_scoped3A : memref<!tpu.dma_semaphore, #tpu.memory_space<semaphore_mem>>)
      %dma_wait3A = arith.constant 0 : i32
      %dma_wait3A_12 = tpu.memref_slice %arg10[%mul3A_2, %dma_wait3A] : memref<10112x128xf32, #tpu.memory_space<vmem_shared>> -> memref<632x128xf32, #tpu.memory_space<vmem_shared>>
      %dma_wait3A_13 = arith.constant 0 : i32
      %dma_wait3A_14 = tpu.memref_slice %arg5[%mul3A_2, %dma_wait3A_13] : memref<10112x128xf32, #tpu.memory_space<hbm>> -> memref<632x128xf32, #tpu.memory_space<hbm>>
      tpu.wait_dma2 semaphore(%run_scoped3A : memref<!tpu.dma_semaphore, #tpu.memory_space<semaphore_mem>>) src(%dma_wait3A_14 : memref<632x128xf32, #tpu.memory_space<hbm>>) dst(%dma_wait3A_12 : memref<632x128xf32, #tpu.memory_space<vmem_shared>>)
      tpu.yield
    }) : () -> ()
    %barrier3A = arith.constant 0 : index
    tpu.barrier barrier_id(%barrier3A)
    %scan3A = arith.constant 0 : i32
    %scan3A_3 = arith.constant 0 : i32
    %scan3A_4 = arith.constant 80 : i32
    %scan3A_5 = arith.addi %scan3A_3, %scan3A_4 : i32
    %scan3A_6 = arith.constant 1 : i32
    scf.for %scan3A_9 = %scan3A_3 to %scan3A_5 step %scan3A_6  : i32 {
      %dma_start3A = arith.constant 0 : i32
      %dma_start3A_10 = tpu.memref_slice %arg7[%scan3A_9, %dma_start3A] : memref<80x125xi32, #tpu.memory_space<vmem>> -> memref<1x125xi32, #tpu.memory_space<vmem>>
      %dma_start3A_11 = tpu.memref_squeeze %dma_start3A_10 : memref<1x125xi32, #tpu.memory_space<vmem>> -> memref<125xi32, #tpu.memory_space<vmem>>
      %dma_start3A_12 = arith.constant 0 : i32
      %dma_start3A_13 = arith.constant 0 : i32
      %dma_start3A_14 = tpu.memref_slice %arg2[%dma_start3A_12, %dma_start3A_13] : memref<10000x128xf32, #tpu.memory_space<hbm>> -> memref<10000x128xf32, #tpu.memory_space<hbm>>
      tpu.enqueue_indirect_dma source(%dma_start3A_14 : memref<10000x128xf32, #tpu.memory_space<hbm>>) target(%arg9 : memref<125x128xf32, #tpu.memory_space<vmem>>) offsets(%dma_start3A_11 : memref<125xi32, #tpu.memory_space<vmem>>) semaphore(%arg11 : memref<!tpu.dma_semaphore, #tpu.memory_space<semaphore_mem>>)
      %dma_wait3A = arith.constant 0 : i32
      %dma_wait3A_15 = tpu.memref_slice %arg7[%scan3A_9, %dma_wait3A] : memref<80x125xi32, #tpu.memory_space<vmem>> -> memref<1x125xi32, #tpu.memory_space<vmem>>
      %dma_wait3A_16 = tpu.memref_squeeze %dma_wait3A_15 : memref<1x125xi32, #tpu.memory_space<vmem>> -> memref<125xi32, #tpu.memory_space<vmem>>
      %dma_wait3A_17 = arith.constant 0 : i32
      %dma_wait3A_18 = arith.constant 0 : i32
      %dma_wait3A_19 = tpu.memref_slice %arg2[%dma_wait3A_17, %dma_wait3A_18] : memref<10000x128xf32, #tpu.memory_space<hbm>> -> memref<10000x128xf32, #tpu.memory_space<hbm>>
      tpu.wait_indirect_dma semaphore(%arg11 : memref<!tpu.dma_semaphore, #tpu.memory_space<semaphore_mem>>) src(%dma_wait3A_19 : memref<10000x128xf32, #tpu.memory_space<hbm>>) dst(%arg9 : memref<125x128xf32, #tpu.memory_space<vmem>>)
      "tpu.region"() ({
        %run_scoped3A = tpu.sem_alloc : memref<!tpu.dma_semaphore, #tpu.memory_space<semaphore_mem>>
        %dma_start3A_20 = arith.constant 0 : i32
        %dma_start3A_21 = tpu.memref_slice %arg8[%scan3A_9, %dma_start3A_20] : memref<80x125xi32, #tpu.memory_space<vmem>> -> memref<1x125xi32, #tpu.memory_space<vmem>>
        %dma_start3A_22 = tpu.memref_squeeze %dma_start3A_21 : memref<1x125xi32, #tpu.memory_space<vmem>> -> memref<125xi32, #tpu.memory_space<vmem>>
        %dma_start3A_23 = arith.constant 0 : i32
        %dma_start3A_24 = arith.constant 0 : i32
        %dma_start3A_25 = tpu.memref_slice %arg10[%dma_start3A_23, %dma_start3A_24] : memref<10112x128xf32, #tpu.memory_space<vmem_shared>> -> memref<10112x128xf32, #tpu.memory_space<vmem_shared>>
        tpu.enqueue_indirect_dma source(%arg9 : memref<125x128xf32, #tpu.memory_space<vmem>>) target(%dma_start3A_25 : memref<10112x128xf32, #tpu.memory_space<vmem_shared>>) offsets(%dma_start3A_22 : memref<125xi32, #tpu.memory_space<vmem>>) semaphore(%run_scoped3A : memref<!tpu.dma_semaphore, #tpu.memory_space<semaphore_mem>>) {add = true}
        %dma_wait3A_26 = arith.constant 0 : i32
        %dma_wait3A_27 = tpu.memref_slice %arg8[%scan3A_9, %dma_wait3A_26] : memref<80x125xi32, #tpu.memory_space<vmem>> -> memref<1x125xi32, #tpu.memory_space<vmem>>
        %dma_wait3A_28 = tpu.memref_squeeze %dma_wait3A_27 : memref<1x125xi32, #tpu.memory_space<vmem>> -> memref<125xi32, #tpu.memory_space<vmem>>
        %dma_wait3A_29 = arith.constant 0 : i32
        %dma_wait3A_30 = arith.constant 0 : i32
        %dma_wait3A_31 = tpu.memref_slice %arg10[%dma_wait3A_29, %dma_wait3A_30] : memref<10112x128xf32, #tpu.memory_space<vmem_shared>> -> memref<10112x128xf32, #tpu.memory_space<vmem_shared>>
        tpu.wait_indirect_dma semaphore(%run_scoped3A : memref<!tpu.dma_semaphore, #tpu.memory_space<semaphore_mem>>) src(%arg9 : memref<125x128xf32, #tpu.memory_space<vmem>>) dst(%dma_wait3A_31 : memref<10112x128xf32, #tpu.memory_space<vmem_shared>>)
        tpu.yield
      }) : () -> ()
    }
    %scan3A_7 = arith.constant 80 : i32
    %barrier3A_8 = arith.constant 0 : index
    tpu.barrier barrier_id(%barrier3A_8)
    "tpu.region"() ({
      %run_scoped3A = tpu.sem_alloc : memref<!tpu.dma_semaphore, #tpu.memory_space<semaphore_mem>>
      %dma_start3A = arith.constant 0 : i32
      %dma_start3A_9 = tpu.memref_slice %arg6[%arg0, %mul3A_2, %dma_start3A] : memref<2x10112x128xf32, #tpu.memory_space<hbm>> -> memref<1x632x128xf32, #tpu.memory_space<hbm>>
      %dma_start3A_10 = tpu.memref_squeeze %dma_start3A_9 : memref<1x632x128xf32, #tpu.memory_space<hbm>> -> memref<632x128xf32, #tpu.memory_space<hbm>>
      %dma_start3A_11 = arith.constant 0 : i32
      %dma_start3A_12 = tpu.memref_slice %arg10[%mul3A_2, %dma_start3A_11] : memref<10112x128xf32, #tpu.memory_space<vmem_shared>> -> memref<632x128xf32, #tpu.memory_space<vmem_shared>>
      tpu.enqueue_dma source(%dma_start3A_12 : memref<632x128xf32, #tpu.memory_space<vmem_shared>>) target(%dma_start3A_10 : memref<632x128xf32, #tpu.memory_space<hbm>>) target_semaphore(%run_scoped3A : memref<!tpu.dma_semaphore, #tpu.memory_space<semaphore_mem>>)
      %dma_wait3A = arith.constant 0 : i32
      %dma_wait3A_13 = tpu.memref_slice %arg6[%arg0, %mul3A_2, %dma_wait3A] : memref<2x10112x128xf32, #tpu.memory_space<hbm>> -> memref<1x632x128xf32, #tpu.memory_space<hbm>>
      %dma_wait3A_14 = tpu.memref_squeeze %dma_wait3A_13 : memref<1x632x128xf32, #tpu.memory_space<hbm>> -> memref<632x128xf32, #tpu.memory_space<hbm>>
      %dma_wait3A_15 = arith.constant 0 : i32
      %dma_wait3A_16 = tpu.memref_slice %arg10[%mul3A_2, %dma_wait3A_15] : memref<10112x128xf32, #tpu.memory_space<vmem_shared>> -> memref<632x128xf32, #tpu.memory_space<vmem_shared>>
      tpu.wait_dma2 semaphore(%run_scoped3A : memref<!tpu.dma_semaphore, #tpu.memory_space<semaphore_mem>>) src(%dma_wait3A_16 : memref<632x128xf32, #tpu.memory_space<vmem_shared>>) dst(%dma_wait3A_14 : memref<632x128xf32, #tpu.memory_space<hbm>>)
      tpu.yield
    }) : () -> ()
    return
  }
}

#map = affine_map<(d0, d1) -> (0, 0)>
#map1 = affine_map<(d0, d1) -> (0, 0, 0)>
module attributes {stable_mosaic.version = 14 : i64} {
  func.func @edge_kernel(%arg0: i32, %arg1: i32, %arg2: memref<10000x128xf32, #tpu.memory_space<hbm>>, %arg3: memref<32x80x125xi32, #tpu.memory_space<hbm>>, %arg4: memref<32x80x125xi32, #tpu.memory_space<hbm>>, %arg5: memref<10112x128xf32, #tpu.memory_space<hbm>>, %arg6: memref<2x10112x128xf32, #tpu.memory_space<hbm>>, %arg7: memref<80x125xi32, #tpu.memory_space<vmem>>, %arg8: memref<80x125xi32, #tpu.memory_space<vmem>>, %arg9: memref<125x128xf32, #tpu.memory_space<vmem>>, %arg10: memref<10112x128xf32, #tpu.memory_space<vmem_shared>>, %arg11: memref<!tpu.dma_semaphore, #tpu.memory_space<semaphore_mem>>) attributes {dimension_semantics = [#tpu.dimension_semantics<core_parallel>, #tpu.dimension_semantics<subcore_parallel>], iteration_bounds = array<i64: 2, 16>, scalar_prefetch = 0 : i64, scratch_operands = 5 : i64, tpu.core_type = #tpu.core_type<sc_vector_subcore>, window_params = [{transform_indices = #map}, {transform_indices = #map1}, {transform_indices = #map1}, {transform_indices = #map}, {transform_indices = #map1}]} {
    %mul3A = arith.constant 2 : i32
    %mul3A_0 = arith.muli %arg1, %mul3A : i32
    %add3A = arith.addi %mul3A_0, %arg0 : i32
    %mul3A_1 = arith.constant 632 : i32
    %mul3A_2 = arith.muli %arg1, %mul3A_1 : i32
    "tpu.region"() ({
      %run_scoped3A = tpu.sem_alloc : memref<!tpu.dma_semaphore, #tpu.memory_space<semaphore_mem>>
      %dma_start3A = arith.constant 0 : i32
      %dma_start3A_9 = arith.constant 0 : i32
      %dma_start3A_10 = tpu.memref_slice %arg3[%add3A, %dma_start3A, %dma_start3A_9] : memref<32x80x125xi32, #tpu.memory_space<hbm>> -> memref<1x80x125xi32, #tpu.memory_space<hbm>>
      %dma_start3A_11 = tpu.memref_squeeze %dma_start3A_10 : memref<1x80x125xi32, #tpu.memory_space<hbm>> -> memref<80x125xi32, #tpu.memory_space<hbm>>
      %dma_start3A_12 = arith.constant 0 : i32
      %dma_start3A_13 = arith.constant 0 : i32
      %dma_start3A_14 = tpu.memref_slice %arg3[%add3A, %dma_start3A_12, %dma_start3A_13] : memref<32x80x125xi32, #tpu.memory_space<hbm>> -> memref<1x80x125xi32, #tpu.memory_space<hbm>>
      %dma_start3A_15 = tpu.memref_squeeze %dma_start3A_14 : memref<1x80x125xi32, #tpu.memory_space<hbm>> -> memref<80x125xi32, #tpu.memory_space<hbm>>
      tpu.enqueue_dma source(%dma_start3A_15 : memref<80x125xi32, #tpu.memory_space<hbm>>) target(%arg7 : memref<80x125xi32, #tpu.memory_space<vmem>>) target_semaphore(%run_scoped3A : memref<!tpu.dma_semaphore, #tpu.memory_space<semaphore_mem>>)
      %dma_wait3A = arith.constant 0 : i32
      %dma_wait3A_16 = arith.constant 0 : i32
      %dma_wait3A_17 = tpu.memref_slice %arg3[%add3A, %dma_wait3A, %dma_wait3A_16] : memref<32x80x125xi32, #tpu.memory_space<hbm>> -> memref<1x80x125xi32, #tpu.memory_space<hbm>>
      %dma_wait3A_18 = tpu.memref_squeeze %dma_wait3A_17 : memref<1x80x125xi32, #tpu.memory_space<hbm>> -> memref<80x125xi32, #tpu.memory_space<hbm>>
      %dma_wait3A_19 = arith.constant 0 : i32
      %dma_wait3A_20 = arith.constant 0 : i32
      %dma_wait3A_21 = tpu.memref_slice %arg3[%add3A, %dma_wait3A_19, %dma_wait3A_20] : memref<32x80x125xi32, #tpu.memory_space<hbm>> -> memref<1x80x125xi32, #tpu.memory_space<hbm>>
      %dma_wait3A_22 = tpu.memref_squeeze %dma_wait3A_21 : memref<1x80x125xi32, #tpu.memory_space<hbm>> -> memref<80x125xi32, #tpu.memory_space<hbm>>
      tpu.wait_dma2 semaphore(%run_scoped3A : memref<!tpu.dma_semaphore, #tpu.memory_space<semaphore_mem>>) src(%dma_wait3A_22 : memref<80x125xi32, #tpu.memory_space<hbm>>) dst(%arg7 : memref<80x125xi32, #tpu.memory_space<vmem>>)
      tpu.yield
    }) : () -> ()
    "tpu.region"() ({
      %run_scoped3A = tpu.sem_alloc : memref<!tpu.dma_semaphore, #tpu.memory_space<semaphore_mem>>
      %dma_start3A = arith.constant 0 : i32
      %dma_start3A_9 = arith.constant 0 : i32
      %dma_start3A_10 = tpu.memref_slice %arg4[%add3A, %dma_start3A, %dma_start3A_9] : memref<32x80x125xi32, #tpu.memory_space<hbm>> -> memref<1x80x125xi32, #tpu.memory_space<hbm>>
      %dma_start3A_11 = tpu.memref_squeeze %dma_start3A_10 : memref<1x80x125xi32, #tpu.memory_space<hbm>> -> memref<80x125xi32, #tpu.memory_space<hbm>>
      %dma_start3A_12 = arith.constant 0 : i32
      %dma_start3A_13 = arith.constant 0 : i32
      %dma_start3A_14 = tpu.memref_slice %arg4[%add3A, %dma_start3A_12, %dma_start3A_13] : memref<32x80x125xi32, #tpu.memory_space<hbm>> -> memref<1x80x125xi32, #tpu.memory_space<hbm>>
      %dma_start3A_15 = tpu.memref_squeeze %dma_start3A_14 : memref<1x80x125xi32, #tpu.memory_space<hbm>> -> memref<80x125xi32, #tpu.memory_space<hbm>>
      tpu.enqueue_dma source(%dma_start3A_15 : memref<80x125xi32, #tpu.memory_space<hbm>>) target(%arg8 : memref<80x125xi32, #tpu.memory_space<vmem>>) target_semaphore(%run_scoped3A : memref<!tpu.dma_semaphore, #tpu.memory_space<semaphore_mem>>)
      %dma_wait3A = arith.constant 0 : i32
      %dma_wait3A_16 = arith.constant 0 : i32
      %dma_wait3A_17 = tpu.memref_slice %arg4[%add3A, %dma_wait3A, %dma_wait3A_16] : memref<32x80x125xi32, #tpu.memory_space<hbm>> -> memref<1x80x125xi32, #tpu.memory_space<hbm>>
      %dma_wait3A_18 = tpu.memref_squeeze %dma_wait3A_17 : memref<1x80x125xi32, #tpu.memory_space<hbm>> -> memref<80x125xi32, #tpu.memory_space<hbm>>
      %dma_wait3A_19 = arith.constant 0 : i32
      %dma_wait3A_20 = arith.constant 0 : i32
      %dma_wait3A_21 = tpu.memref_slice %arg4[%add3A, %dma_wait3A_19, %dma_wait3A_20] : memref<32x80x125xi32, #tpu.memory_space<hbm>> -> memref<1x80x125xi32, #tpu.memory_space<hbm>>
      %dma_wait3A_22 = tpu.memref_squeeze %dma_wait3A_21 : memref<1x80x125xi32, #tpu.memory_space<hbm>> -> memref<80x125xi32, #tpu.memory_space<hbm>>
      tpu.wait_dma2 semaphore(%run_scoped3A : memref<!tpu.dma_semaphore, #tpu.memory_space<semaphore_mem>>) src(%dma_wait3A_22 : memref<80x125xi32, #tpu.memory_space<hbm>>) dst(%arg8 : memref<80x125xi32, #tpu.memory_space<vmem>>)
      tpu.yield
    }) : () -> ()
    "tpu.region"() ({
      %run_scoped3A = tpu.sem_alloc : memref<!tpu.dma_semaphore, #tpu.memory_space<semaphore_mem>>
      %dma_start3A = arith.constant 0 : i32
      %dma_start3A_9 = tpu.memref_slice %arg10[%mul3A_2, %dma_start3A] : memref<10112x128xf32, #tpu.memory_space<vmem_shared>> -> memref<632x128xf32, #tpu.memory_space<vmem_shared>>
      %dma_start3A_10 = arith.constant 0 : i32
      %dma_start3A_11 = tpu.memref_slice %arg5[%mul3A_2, %dma_start3A_10] : memref<10112x128xf32, #tpu.memory_space<hbm>> -> memref<632x128xf32, #tpu.memory_space<hbm>>
      tpu.enqueue_dma source(%dma_start3A_11 : memref<632x128xf32, #tpu.memory_space<hbm>>) target(%dma_start3A_9 : memref<632x128xf32, #tpu.memory_space<vmem_shared>>) target_semaphore(%run_scoped3A : memref<!tpu.dma_semaphore, #tpu.memory_space<semaphore_mem>>)
      %dma_wait3A = arith.constant 0 : i32
      %dma_wait3A_12 = tpu.memref_slice %arg10[%mul3A_2, %dma_wait3A] : memref<10112x128xf32, #tpu.memory_space<vmem_shared>> -> memref<632x128xf32, #tpu.memory_space<vmem_shared>>
      %dma_wait3A_13 = arith.constant 0 : i32
      %dma_wait3A_14 = tpu.memref_slice %arg5[%mul3A_2, %dma_wait3A_13] : memref<10112x128xf32, #tpu.memory_space<hbm>> -> memref<632x128xf32, #tpu.memory_space<hbm>>
      tpu.wait_dma2 semaphore(%run_scoped3A : memref<!tpu.dma_semaphore, #tpu.memory_space<semaphore_mem>>) src(%dma_wait3A_14 : memref<632x128xf32, #tpu.memory_space<hbm>>) dst(%dma_wait3A_12 : memref<632x128xf32, #tpu.memory_space<vmem_shared>>)
      tpu.yield
    }) : () -> ()
    %barrier3A = arith.constant 0 : index
    tpu.barrier barrier_id(%barrier3A)
    %scan3A = arith.constant 0 : i32
    %scan3A_3 = arith.constant 0 : i32
    %scan3A_4 = arith.constant 80 : i32
    %scan3A_5 = arith.addi %scan3A_3, %scan3A_4 : i32
    %scan3A_6 = arith.constant 1 : i32
    scf.for %scan3A_9 = %scan3A_3 to %scan3A_5 step %scan3A_6  : i32 {
      %dma_start3A = arith.constant 0 : i32
      %dma_start3A_10 = tpu.memref_slice %arg7[%scan3A_9, %dma_start3A] : memref<80x125xi32, #tpu.memory_space<vmem>> -> memref<1x125xi32, #tpu.memory_space<vmem>>
      %dma_start3A_11 = tpu.memref_squeeze %dma_start3A_10 : memref<1x125xi32, #tpu.memory_space<vmem>> -> memref<125xi32, #tpu.memory_space<vmem>>
      %dma_start3A_12 = arith.constant 0 : i32
      %dma_start3A_13 = arith.constant 0 : i32
      %dma_start3A_14 = tpu.memref_slice %arg2[%dma_start3A_12, %dma_start3A_13] : memref<10000x128xf32, #tpu.memory_space<hbm>> -> memref<10000x128xf32, #tpu.memory_space<hbm>>
      tpu.enqueue_indirect_dma source(%dma_start3A_14 : memref<10000x128xf32, #tpu.memory_space<hbm>>) target(%arg9 : memref<125x128xf32, #tpu.memory_space<vmem>>) offsets(%dma_start3A_11 : memref<125xi32, #tpu.memory_space<vmem>>) semaphore(%arg11 : memref<!tpu.dma_semaphore, #tpu.memory_space<semaphore_mem>>)
      %dma_wait3A = arith.constant 0 : i32
      %dma_wait3A_15 = tpu.memref_slice %arg7[%scan3A_9, %dma_wait3A] : memref<80x125xi32, #tpu.memory_space<vmem>> -> memref<1x125xi32, #tpu.memory_space<vmem>>
      %dma_wait3A_16 = tpu.memref_squeeze %dma_wait3A_15 : memref<1x125xi32, #tpu.memory_space<vmem>> -> memref<125xi32, #tpu.memory_space<vmem>>
      %dma_wait3A_17 = arith.constant 0 : i32
      %dma_wait3A_18 = arith.constant 0 : i32
      %dma_wait3A_19 = tpu.memref_slice %arg2[%dma_wait3A_17, %dma_wait3A_18] : memref<10000x128xf32, #tpu.memory_space<hbm>> -> memref<10000x128xf32, #tpu.memory_space<hbm>>
      tpu.wait_indirect_dma semaphore(%arg11 : memref<!tpu.dma_semaphore, #tpu.memory_space<semaphore_mem>>) src(%dma_wait3A_19 : memref<10000x128xf32, #tpu.memory_space<hbm>>) dst(%arg9 : memref<125x128xf32, #tpu.memory_space<vmem>>)
      "tpu.region"() ({
        %run_scoped3A = tpu.sem_alloc : memref<!tpu.dma_semaphore, #tpu.memory_space<semaphore_mem>>
        %dma_start3A_20 = arith.constant 0 : i32
        %dma_start3A_21 = tpu.memref_slice %arg8[%scan3A_9, %dma_start3A_20] : memref<80x125xi32, #tpu.memory_space<vmem>> -> memref<1x125xi32, #tpu.memory_space<vmem>>
        %dma_start3A_22 = tpu.memref_squeeze %dma_start3A_21 : memref<1x125xi32, #tpu.memory_space<vmem>> -> memref<125xi32, #tpu.memory_space<vmem>>
        %dma_start3A_23 = arith.constant 0 : i32
        %dma_start3A_24 = arith.constant 0 : i32
        %dma_start3A_25 = tpu.memref_slice %arg10[%dma_start3A_23, %dma_start3A_24] : memref<10112x128xf32, #tpu.memory_space<vmem_shared>> -> memref<10112x128xf32, #tpu.memory_space<vmem_shared>>
        tpu.enqueue_indirect_dma source(%arg9 : memref<125x128xf32, #tpu.memory_space<vmem>>) target(%dma_start3A_25 : memref<10112x128xf32, #tpu.memory_space<vmem_shared>>) offsets(%dma_start3A_22 : memref<125xi32, #tpu.memory_space<vmem>>) semaphore(%run_scoped3A : memref<!tpu.dma_semaphore, #tpu.memory_space<semaphore_mem>>) {add = true}
        %dma_wait3A_26 = arith.constant 0 : i32
        %dma_wait3A_27 = tpu.memref_slice %arg8[%scan3A_9, %dma_wait3A_26] : memref<80x125xi32, #tpu.memory_space<vmem>> -> memref<1x125xi32, #tpu.memory_space<vmem>>
        %dma_wait3A_28 = tpu.memref_squeeze %dma_wait3A_27 : memref<1x125xi32, #tpu.memory_space<vmem>> -> memref<125xi32, #tpu.memory_space<vmem>>
        %dma_wait3A_29 = arith.constant 0 : i32
        %dma_wait3A_30 = arith.constant 0 : i32
        %dma_wait3A_31 = tpu.memref_slice %arg10[%dma_wait3A_29, %dma_wait3A_30] : memref<10112x128xf32, #tpu.memory_space<vmem_shared>> -> memref<10112x128xf32, #tpu.memory_space<vmem_shared>>
        tpu.wait_indirect_dma semaphore(%run_scoped3A : memref<!tpu.dma_semaphore, #tpu.memory_space<semaphore_mem>>) src(%arg9 : memref<125x128xf32, #tpu.memory_space<vmem>>) dst(%dma_wait3A_31 : memref<10112x128xf32, #tpu.memory_space<vmem_shared>>)
        tpu.yield
      }) : () -> ()
    }
    %scan3A_7 = arith.constant 80 : i32
    %barrier3A_8 = arith.constant 0 : index
    tpu.barrier barrier_id(%barrier3A_8)
    "tpu.region"() ({
      %run_scoped3A = tpu.sem_alloc : memref<!tpu.dma_semaphore, #tpu.memory_space<semaphore_mem>>
      %dma_start3A = arith.constant 0 : i32
      %dma_start3A_9 = tpu.memref_slice %arg6[%arg0, %mul3A_2, %dma_start3A] : memref<2x10112x128xf32, #tpu.memory_space<hbm>> -> memref<1x632x128xf32, #tpu.memory_space<hbm>>
      %dma_start3A_10 = tpu.memref_squeeze %dma_start3A_9 : memref<1x632x128xf32, #tpu.memory_space<hbm>> -> memref<632x128xf32, #tpu.memory_space<hbm>>
      %dma_start3A_11 = arith.constant 0 : i32
      %dma_start3A_12 = tpu.memref_slice %arg10[%mul3A_2, %dma_start3A_11] : memref<10112x128xf32, #tpu.memory_space<vmem_shared>> -> memref<632x128xf32, #tpu.memory_space<vmem_shared>>
      tpu.enqueue_dma source(%dma_start3A_12 : memref<632x128xf32, #tpu.memory_space<vmem_shared>>) target(%dma_start3A_10 : memref<632x128xf32, #tpu.memory_space<hbm>>) target_semaphore(%run_scoped3A : memref<!tpu.dma_semaphore, #tpu.memory_space<semaphore_mem>>)
      %dma_wait3A = arith.constant 0 : i32
      %dma_wait3A_13 = tpu.memref_slice %arg6[%arg0, %mul3A_2, %dma_wait3A] : memref<2x10112x128xf32, #tpu.memory_space<hbm>> -> memref<1x632x128xf32, #tpu.memory_space<hbm>>
      %dma_wait3A_14 = tpu.memref_squeeze %dma_wait3A_13 : memref<1x632x128xf32, #tpu.memory_space<hbm>> -> memref<632x128xf32, #tpu.memory_space<hbm>>
      %dma_wait3A_15 = arith.constant 0 : i32
      %dma_wait3A_16 = tpu.memref_slice %arg10[%mul3A_2, %dma_wait3A_15] : memref<10112x128xf32, #tpu.memory_space<vmem_shared>> -> memref<632x128xf32, #tpu.memory_space<vmem_shared>>
      tpu.wait_dma2 semaphore(%run_scoped3A : memref<!tpu.dma_semaphore, #tpu.memory_space<semaphore_mem>>) src(%dma_wait3A_16 : memref<632x128xf32, #tpu.memory_space<vmem_shared>>) dst(%dma_wait3A_14 : memref<632x128xf32, #tpu.memory_space<hbm>>)
      tpu.yield
    }) : () -> ()
    return
  }
}

module attributes {stable_mosaic.version = 14 : i64} {
  func.func @_g2_body(%arg0: i32, %arg1: memref<2x1000x16xf32, #tpu.memory_space<vmem>>, %arg2: memref<2x1000x128xf32, #tpu.memory_space<vmem>>, %arg3: memref<1000x128xf32, #tpu.memory_space<vmem>>, %arg4: memref<1x128xf32, #tpu.memory_space<vmem>>, %arg5: memref<128x128xf32, #tpu.memory_space<vmem>>, %arg6: memref<1000x128xf32, #tpu.memory_space<vmem>>) attributes {dimension_semantics = [#tpu.dimension_semantics<arbitrary>], iteration_bounds = array<i64: 10>, scalar_prefetch = 0 : i64, scratch_operands = 0 : i64, tpu.core_type = #tpu.core_type<tc>, window_params = [{transform_indices = @transform_0, window_bounds = array<i64: 2, 1000, 16>}, {transform_indices = @transform_1, window_bounds = array<i64: 2, 1000, 128>}, {transform_indices = @transform_2, window_bounds = array<i64: 1000, 128>}, {pipeline_mode = #tpu.pipeline_mode<synchronous>, transform_indices = @transform_3, window_bounds = array<i64: 1, 128>}, {pipeline_mode = #tpu.pipeline_mode<synchronous>, transform_indices = @transform_4, window_bounds = array<i64: 128, 128>}, {transform_indices = @transform_5, window_bounds = array<i64: 1000, 128>}]} {
    %get3A = arith.constant 0 : index
    %get3A_0 = arith.constant 0 : index
    %get3A_1 = arith.constant 0 : index
    %get3A_2 = vector.load %arg1[%get3A, %get3A_0, %get3A_1] : memref<2x1000x16xf32, #tpu.memory_space<vmem>>, vector<1x1000x1xf32>
    %get3A_3 = vector.shape_cast %get3A_2 : vector<1x1000x1xf32> to vector<1000x1xf32>
    %get3A_4 = arith.constant 1 : index
    %get3A_5 = arith.constant 0 : index
    %get3A_6 = arith.constant 0 : index
    %get3A_7 = vector.load %arg1[%get3A_4, %get3A_5, %get3A_6] : memref<2x1000x16xf32, #tpu.memory_space<vmem>>, vector<1x1000x1xf32>
    %get3A_8 = vector.shape_cast %get3A_7 : vector<1x1000x1xf32> to vector<1000x1xf32>
    %add3A = arith.addf %get3A_3, %get3A_8 : vector<1000x1xf32>
    %add3A_9 = arith.constant 1.000000e+00 : f32
    %add3A_10 = vector.broadcast %add3A_9 : f32 to vector<1000x1xf32>
    %add3A_11 = arith.addf %add3A, %add3A_10 : vector<1000x1xf32>
    %rsqrt3A = math.rsqrt %add3A_11 : vector<1000x1xf32>
    %get3A_12 = arith.constant 0 : index
    %get3A_13 = arith.constant 0 : index
    %get3A_14 = arith.constant 0 : index
    %get3A_15 = vector.load %arg2[%get3A_12, %get3A_13, %get3A_14] : memref<2x1000x128xf32, #tpu.memory_space<vmem>>, vector<1x1000x128xf32>
    %get3A_16 = vector.shape_cast %get3A_15 : vector<1x1000x128xf32> to vector<1000x128xf32>
    %get3A_17 = arith.constant 1 : index
    %get3A_18 = arith.constant 0 : index
    %get3A_19 = arith.constant 0 : index
    %get3A_20 = vector.load %arg2[%get3A_17, %get3A_18, %get3A_19] : memref<2x1000x128xf32, #tpu.memory_space<vmem>>, vector<1x1000x128xf32>
    %get3A_21 = vector.shape_cast %get3A_20 : vector<1x1000x128xf32> to vector<1000x128xf32>
    %add3A_22 = arith.addf %get3A_16, %get3A_21 : vector<1000x128xf32>
    %get3A_23 = arith.constant 0 : index
    %get3A_24 = arith.constant 0 : index
    %get3A_25 = vector.load %arg3[%get3A_23, %get3A_24] : memref<1000x128xf32, #tpu.memory_space<vmem>>, vector<1000x128xf32>
    %add3A_26 = arith.addf %add3A_22, %get3A_25 : vector<1000x128xf32>
    %mul3A = vector.broadcast %rsqrt3A : vector<1000x1xf32> to vector<1000x128xf32>
    %mul3A_27 = arith.mulf %mul3A, %add3A_26 : vector<1000x128xf32>
    %get3A_28 = arith.constant 0 : index
    %get3A_29 = arith.constant 0 : index
    %get3A_30 = vector.load %arg4[%get3A_28, %get3A_29] : memref<1x128xf32, #tpu.memory_space<vmem>>, vector<1x128xf32>
    %add3A_31 = vector.broadcast %get3A_30 : vector<1x128xf32> to vector<1000x128xf32>
    %add3A_32 = arith.addf %mul3A_27, %add3A_31 : vector<1000x128xf32>
    %max3A = arith.constant 0.000000e+00 : f32
    %max3A_33 = vector.broadcast %max3A : f32 to vector<1000x128xf32>
    %max3A_34 = arith.maximumf %add3A_32, %max3A_33 : vector<1000x128xf32>
    %get3A_35 = arith.constant 0 : index
    %get3A_36 = arith.constant 0 : index
    %get3A_37 = vector.load %arg5[%get3A_35, %get3A_36] : memref<128x128xf32, #tpu.memory_space<vmem>>, vector<128x128xf32>
    %dot_general3A = arith.constant dense<0.000000e+00> : vector<1000x128xf32>
    %dot_general3A_38 = tpu.matmul %max3A_34, %get3A_37, %dot_general3A {dimension_numbers = #tpu.dot_dimension_numbers<[1], [0], [0], [1], [0, 0, 1, 1], [], []>, transpose_lhs_hint = false} : vector<1000x128xf32>, vector<128x128xf32>, vector<1000x128xf32> -> vector<1000x128xf32>
    %mul3A_39 = vector.broadcast %rsqrt3A : vector<1000x1xf32> to vector<1000x128xf32>
    %mul3A_40 = arith.mulf %dot_general3A_38, %mul3A_39 : vector<1000x128xf32>
    %swap3A = arith.constant 0 : index
    %swap3A_41 = arith.constant 0 : index
    %swap3A_42 = vector.load %arg6[%swap3A, %swap3A_41] : memref<1000x128xf32, #tpu.memory_space<vmem>>, vector<1000x128xf32>
    tpu.vector_store %arg6[%swap3A, %swap3A_41], %mul3A_40 {strides = array<i32>} : memref<1000x128xf32, #tpu.memory_space<vmem>>, vector<1000x128xf32>,
    return
  }
  func.func @transform_0(%arg0: i32) -> (i32, i32, i32) {
    %c0_i32 = arith.constant 0 : i32
    %c0_i32_0 = arith.constant 0 : i32
    %c0_i32_1 = arith.constant 0 : i32
    return %c0_i32, %arg0, %c0_i32_0 : i32, i32, i32
  }
  func.func @transform_1(%arg0: i32) -> (i32, i32, i32) {
    %c0_i32 = arith.constant 0 : i32
    %c0_i32_0 = arith.constant 0 : i32
    %c0_i32_1 = arith.constant 0 : i32
    return %c0_i32, %arg0, %c0_i32_0 : i32, i32, i32
  }
  func.func @transform_2(%arg0: i32) -> (i32, i32) {
    %c0_i32 = arith.constant 0 : i32
    %c0_i32_0 = arith.constant 0 : i32
    return %arg0, %c0_i32 : i32, i32
  }
  func.func @transform_3(%arg0: i32) -> (i32, i32) {
    %c0_i32 = arith.constant 0 : i32
    %c0_i32_0 = arith.constant 0 : i32
    %c0_i32_1 = arith.constant 0 : i32
    return %c0_i32, %c0_i32_0 : i32, i32
  }
  func.func @transform_4(%arg0: i32) -> (i32, i32) {
    %c0_i32 = arith.constant 0 : i32
    %c0_i32_0 = arith.constant 0 : i32
    %c0_i32_1 = arith.constant 0 : i32
    return %c0_i32, %c0_i32_0 : i32, i32
  }
  func.func @transform_5(%arg0: i32) -> (i32, i32) {
    %c0_i32 = arith.constant 0 : i32
    %c0_i32_0 = arith.constant 0 : i32
    return %arg0, %c0_i32 : i32, i32
  }
}

module attributes {stable_mosaic.version = 14 : i64} {
  func.func @_g1_body(%arg0: i32, %arg1: memref<2x1000x16xf32, #tpu.memory_space<vmem>>, %arg2: memref<1000x128xf32, #tpu.memory_space<vmem>>, %arg3: memref<128x128xf32, #tpu.memory_space<vmem>>, %arg4: memref<1000x128xf32, #tpu.memory_space<vmem>>) attributes {dimension_semantics = [#tpu.dimension_semantics<arbitrary>], iteration_bounds = array<i64: 10>, scalar_prefetch = 0 : i64, scratch_operands = 0 : i64, tpu.core_type = #tpu.core_type<tc>, window_params = [{transform_indices = @transform_0, window_bounds = array<i64: 2, 1000, 16>}, {transform_indices = @transform_1, window_bounds = array<i64: 1000, 128>}, {pipeline_mode = #tpu.pipeline_mode<synchronous>, transform_indices = @transform_2, window_bounds = array<i64: 128, 128>}, {transform_indices = @transform_3, window_bounds = array<i64: 1000, 128>}]} {
    %get3A = arith.constant 0 : index
    %get3A_0 = arith.constant 0 : index
    %get3A_1 = arith.constant 0 : index
    %get3A_2 = vector.load %arg1[%get3A, %get3A_0, %get3A_1] : memref<2x1000x16xf32, #tpu.memory_space<vmem>>, vector<1x1000x1xf32>
    %get3A_3 = vector.shape_cast %get3A_2 : vector<1x1000x1xf32> to vector<1000x1xf32>
    %get3A_4 = arith.constant 1 : index
    %get3A_5 = arith.constant 0 : index
    %get3A_6 = arith.constant 0 : index
    %get3A_7 = vector.load %arg1[%get3A_4, %get3A_5, %get3A_6] : memref<2x1000x16xf32, #tpu.memory_space<vmem>>, vector<1x1000x1xf32>
    %get3A_8 = vector.shape_cast %get3A_7 : vector<1x1000x1xf32> to vector<1000x1xf32>
    %add3A = arith.addf %get3A_3, %get3A_8 : vector<1000x1xf32>
    %add3A_9 = arith.constant 1.000000e+00 : f32
    %add3A_10 = vector.broadcast %add3A_9 : f32 to vector<1000x1xf32>
    %add3A_11 = arith.addf %add3A, %add3A_10 : vector<1000x1xf32>
    %rsqrt3A = math.rsqrt %add3A_11 : vector<1000x1xf32>
    %get3A_12 = arith.constant 0 : index
    %get3A_13 = arith.constant 0 : index
    %get3A_14 = vector.load %arg2[%get3A_12, %get3A_13] : memref<1000x128xf32, #tpu.memory_space<vmem>>, vector<1000x128xf32>
    %get3A_15 = arith.constant 0 : index
    %get3A_16 = arith.constant 0 : index
    %get3A_17 = vector.load %arg3[%get3A_15, %get3A_16] : memref<128x128xf32, #tpu.memory_space<vmem>>, vector<128x128xf32>
    %dot_general3A = arith.constant dense<0.000000e+00> : vector<1000x128xf32>
    %dot_general3A_18 = tpu.matmul %get3A_14, %get3A_17, %dot_general3A {dimension_numbers = #tpu.dot_dimension_numbers<[1], [0], [0], [1], [0, 0, 1, 1], [], []>, transpose_lhs_hint = false} : vector<1000x128xf32>, vector<128x128xf32>, vector<1000x128xf32> -> vector<1000x128xf32>
    %mul3A = vector.broadcast %rsqrt3A : vector<1000x1xf32> to vector<1000x128xf32>
    %mul3A_19 = arith.mulf %dot_general3A_18, %mul3A : vector<1000x128xf32>
    %swap3A = arith.constant 0 : index
    %swap3A_20 = arith.constant 0 : index
    %swap3A_21 = vector.load %arg4[%swap3A, %swap3A_20] : memref<1000x128xf32, #tpu.memory_space<vmem>>, vector<1000x128xf32>
    tpu.vector_store %arg4[%swap3A, %swap3A_20], %mul3A_19 {strides = array<i32>} : memref<1000x128xf32, #tpu.memory_space<vmem>>, vector<1000x128xf32>,
    return
  }
  func.func @transform_0(%arg0: i32) -> (i32, i32, i32) {
    %c0_i32 = arith.constant 0 : i32
    %c0_i32_0 = arith.constant 0 : i32
    %c0_i32_1 = arith.constant 0 : i32
    return %c0_i32, %arg0, %c0_i32_0 : i32, i32, i32
  }
  func.func @transform_1(%arg0: i32) -> (i32, i32) {
    %c0_i32 = arith.constant 0 : i32
    %c0_i32_0 = arith.constant 0 : i32
    return %arg0, %c0_i32 : i32, i32
  }
  func.func @transform_2(%arg0: i32) -> (i32, i32) {
    %c0_i32 = arith.constant 0 : i32
    %c0_i32_0 = arith.constant 0 : i32
    %c0_i32_1 = arith.constant 0 : i32
    return %c0_i32, %c0_i32_0 : i32, i32
  }
  func.func @transform_3(%arg0: i32) -> (i32, i32) {
    %c0_i32 = arith.constant 0 : i32
    %c0_i32_0 = arith.constant 0 : i32
    return %arg0, %c0_i32 : i32, i32
  }
}

module attributes {stable_mosaic.version = 14 : i64} {
  func.func @_out_body(%arg0: i32, %arg1: memref<2x1000x16xf32, #tpu.memory_space<vmem>>, %arg2: memref<2x1000x128xf32, #tpu.memory_space<vmem>>, %arg3: memref<1000x128xf32, #tpu.memory_space<vmem>>, %arg4: memref<1x128xf32, #tpu.memory_space<vmem>>, %arg5: memref<1000x40xf32, #tpu.memory_space<vmem>>) attributes {dimension_semantics = [#tpu.dimension_semantics<arbitrary>], iteration_bounds = array<i64: 10>, scalar_prefetch = 0 : i64, scratch_operands = 0 : i64, tpu.core_type = #tpu.core_type<tc>, window_params = [{transform_indices = @transform_0, window_bounds = array<i64: 2, 1000, 16>}, {transform_indices = @transform_1, window_bounds = array<i64: 2, 1000, 128>}, {transform_indices = @transform_2, window_bounds = array<i64: 1000, 128>}, {pipeline_mode = #tpu.pipeline_mode<synchronous>, transform_indices = @transform_3, window_bounds = array<i64: 1, 128>}, {transform_indices = @transform_4, window_bounds = array<i64: 1000, 40>}]} {
    %get3A = arith.constant 0 : index
    %get3A_0 = arith.constant 0 : index
    %get3A_1 = arith.constant 0 : index
    %get3A_2 = vector.load %arg1[%get3A, %get3A_0, %get3A_1] : memref<2x1000x16xf32, #tpu.memory_space<vmem>>, vector<1x1000x1xf32>
    %get3A_3 = vector.shape_cast %get3A_2 : vector<1x1000x1xf32> to vector<1000x1xf32>
    %get3A_4 = arith.constant 1 : index
    %get3A_5 = arith.constant 0 : index
    %get3A_6 = arith.constant 0 : index
    %get3A_7 = vector.load %arg1[%get3A_4, %get3A_5, %get3A_6] : memref<2x1000x16xf32, #tpu.memory_space<vmem>>, vector<1x1000x1xf32>
    %get3A_8 = vector.shape_cast %get3A_7 : vector<1x1000x1xf32> to vector<1000x1xf32>
    %add3A = arith.addf %get3A_3, %get3A_8 : vector<1000x1xf32>
    %add3A_9 = arith.constant 1.000000e+00 : f32
    %add3A_10 = vector.broadcast %add3A_9 : f32 to vector<1000x1xf32>
    %add3A_11 = arith.addf %add3A, %add3A_10 : vector<1000x1xf32>
    %rsqrt3A = math.rsqrt %add3A_11 : vector<1000x1xf32>
    %get3A_12 = arith.constant 0 : index
    %get3A_13 = arith.constant 0 : index
    %get3A_14 = arith.constant 0 : index
    %get3A_15 = vector.load %arg2[%get3A_12, %get3A_13, %get3A_14] : memref<2x1000x128xf32, #tpu.memory_space<vmem>>, vector<1x1000x128xf32>
    %get3A_16 = vector.shape_cast %get3A_15 : vector<1x1000x128xf32> to vector<1000x128xf32>
    %get3A_17 = arith.constant 1 : index
    %get3A_18 = arith.constant 0 : index
    %get3A_19 = arith.constant 0 : index
    %get3A_20 = vector.load %arg2[%get3A_17, %get3A_18, %get3A_19] : memref<2x1000x128xf32, #tpu.memory_space<vmem>>, vector<1x1000x128xf32>
    %get3A_21 = vector.shape_cast %get3A_20 : vector<1x1000x128xf32> to vector<1000x128xf32>
    %add3A_22 = arith.addf %get3A_16, %get3A_21 : vector<1000x128xf32>
    %get3A_23 = arith.constant 0 : index
    %get3A_24 = arith.constant 0 : index
    %get3A_25 = vector.load %arg3[%get3A_23, %get3A_24] : memref<1000x128xf32, #tpu.memory_space<vmem>>, vector<1000x128xf32>
    %add3A_26 = arith.addf %add3A_22, %get3A_25 : vector<1000x128xf32>
    %mul3A = vector.broadcast %rsqrt3A : vector<1000x1xf32> to vector<1000x128xf32>
    %mul3A_27 = arith.mulf %mul3A, %add3A_26 : vector<1000x128xf32>
    %get3A_28 = arith.constant 0 : index
    %get3A_29 = arith.constant 0 : index
    %get3A_30 = vector.load %arg4[%get3A_28, %get3A_29] : memref<1x128xf32, #tpu.memory_space<vmem>>, vector<1x128xf32>
    %add3A_31 = vector.broadcast %get3A_30 : vector<1x128xf32> to vector<1000x128xf32>
    %add3A_32 = arith.addf %mul3A_27, %add3A_31 : vector<1000x128xf32>
    %slice3A = vector.extract_strided_slice %add3A_32 {offsets = [0, 0], sizes = [1000, 40], strides = [1, 1]} : vector<1000x128xf32> to vector<1000x40xf32>
    %reduce_max3A = arith.constant dense<0xFF800000> : vector<1000xf32>
    %reduce_max3A_33 = vector.multi_reduction <maximumf>, %slice3A, %reduce_max3A [1] : vector<1000x40xf32> to vector<1000xf32>
    %broadcast_in_dim3A = vector.shape_cast %reduce_max3A_33 : vector<1000xf32> to vector<1000x1xf32>
    %sub3A = vector.broadcast %broadcast_in_dim3A : vector<1000x1xf32> to vector<1000x40xf32>
    %sub3A_34 = arith.subf %slice3A, %sub3A : vector<1000x40xf32>
    %exp3A = math.exp %sub3A_34 : vector<1000x40xf32>
    %reduce_sum3A = arith.constant dense<0.000000e+00> : vector<1000xf32>
    %reduce_sum3A_35 = vector.multi_reduction <add>, %exp3A, %reduce_sum3A [1] : vector<1000x40xf32> to vector<1000xf32>
    %broadcast_in_dim3A_36 = vector.shape_cast %reduce_sum3A_35 : vector<1000xf32> to vector<1000x1xf32>
    %log3A = math.log %broadcast_in_dim3A_36 : vector<1000x1xf32>
    %sub3A_37 = vector.broadcast %broadcast_in_dim3A : vector<1000x1xf32> to vector<1000x40xf32>
    %sub3A_38 = arith.subf %slice3A, %sub3A_37 : vector<1000x40xf32>
    %sub3A_39 = vector.broadcast %log3A : vector<1000x1xf32> to vector<1000x40xf32>
    %sub3A_40 = arith.subf %sub3A_38, %sub3A_39 : vector<1000x40xf32>
    %swap3A = arith.constant 0 : index
    %swap3A_41 = arith.constant 0 : index
    %swap3A_42 = vector.load %arg5[%swap3A, %swap3A_41] : memref<1000x40xf32, #tpu.memory_space<vmem>>, vector<1000x40xf32>
    tpu.vector_store %arg5[%swap3A, %swap3A_41], %sub3A_40 {strides = array<i32>} : memref<1000x40xf32, #tpu.memory_space<vmem>>, vector<1000x40xf32>,
    return
  }
  func.func @transform_0(%arg0: i32) -> (i32, i32, i32) {
    %c0_i32 = arith.constant 0 : i32
    %c0_i32_0 = arith.constant 0 : i32
    %c0_i32_1 = arith.constant 0 : i32
    return %c0_i32, %arg0, %c0_i32_0 : i32, i32, i32
  }
  func.func @transform_1(%arg0: i32) -> (i32, i32, i32) {
    %c0_i32 = arith.constant 0 : i32
    %c0_i32_0 = arith.constant 0 : i32
    %c0_i32_1 = arith.constant 0 : i32
    return %c0_i32, %arg0, %c0_i32_0 : i32, i32, i32
  }
  func.func @transform_2(%arg0: i32) -> (i32, i32) {
    %c0_i32 = arith.constant 0 : i32
    %c0_i32_0 = arith.constant 0 : i32
    return %arg0, %c0_i32 : i32, i32
  }
  func.func @transform_3(%arg0: i32) -> (i32, i32) {
    %c0_i32 = arith.constant 0 : i32
    %c0_i32_0 = arith.constant 0 : i32
    %c0_i32_1 = arith.constant 0 : i32
    return %c0_i32, %c0_i32_0 : i32, i32
  }
  func.func @transform_4(%arg0: i32) -> (i32, i32) {
    %c0_i32 = arith.constant 0 : i32
    %c0_i32_0 = arith.constant 0 : i32
    return %arg0, %c0_i32 : i32, i32
  }
}

</mosaic_0001>

<sc_bundles>
// kernel: kernel.11.cloned.1.call-start
scs
__scs_entry_jumppad:
0x0: {  	(pc) =	sbr.rel $0x88, $3  }
0x1: {  	(tag) =	ssettag $0x0;
	lr =	simm.s32 $0x1  }
0x2: {  	[smem:$0x3F9B] =	sst lr;
	_ =	strace $0xD0000000  }
0x3: {  	_ = 	snop  }
0x4: {  	_ = 	snop  }
0x5: {  	_ = 	snop  }
0x6: {  	_ = 	snop  }
0x7: {  	_ = 	snop  }
__scs_overlays_trampoline_lowered:
0x8: {  	[smem:$0x3FAA] =	sst s0  }
0x9: {  	[smem:$0x3FAB] =	sst s1  }
0xa: {  	[smem:$0x3FAC] =	sst s2  }
0xb: {  	[smem:$0x3FAD] =	sst s3  }
0xc: {  	[smem:$0x3FAE] =	sst s4  }
0xd: {  	[smem:$0x3FAF] =	sst s5  }
0xe: {  	[smem:$0x3FB0] =	sst s6  }
0xf: {  	[smem:$0x3FB1] =	sst s7  }
0x10: {  	[smem:$0x3FB2] =	sst s8  }
0x11: {  	[smem:$0x3FB3] =	sst s9;
	s0 =	simm.s32 @!p0 $0x0  }
0x12: {  	s1 =	sld [smem:$0x3F99];
	s0 =	simm.s32 @p0 $0x1  }
0x13: {  	[smem:$0x3FB4] =	sst s0;
	s0 =	simm.s32 @!p1 $0x0  }
0x14: {  	s2 =	sld [smem:$0x3F98];
	s0 =	simm.s32 @p1 $0x1  }
0x15: {  	[smem:$0x3FB5] =	sst s0;
	s0 =	simm.s32 @!p2 $0x0  }
0x16: {  	s3 =	sld [smem:$0x3FDB];
	s0 =	simm.s32 @p2 $0x1  }
0x17: {  	s4 =	simm.s32 $0x1BF5;
	[smem:$0x3FB7] =	sst s0  }
0x18: {  	s0 =	sld [smem:$0x3F9A];
	_ =	swait.ge [sflag:s4], $0x0  }
0x19: {  	s7 =	sld [smem:$0x3F9B]  }
0x1a: {  	s8 =	sadd.s32 $0xFFFFE003, lr  }
0x1b: {  	s9 =	sadd.s32 $0xFFFFFEF7, lr;
	s5 =	simm.s32 $0xFFFFFFFF;
	p2 =	slt.u32 s8, $0xFFFFF086  }
0x1c: {  	p1 =	slt.u32 s9, $0xF7A;
	s5 =	simm.s32 @!p2 $0x0  }
0x1d: {  	s5 =	simm.s32 @p1 $0x1;
	p0 =	seq.s32 s7, s2  }
0x1e: {  	s7 =	smul.u32 @!p0 $0xF7A, s2;
	p2 =	seq.s32 @!p0 s5, $0x0  }
0x1f: {  	s9 =	smul.u32 $0xF7A, s1;
	s8 =	simm.s32 @!p0 $0x1BF5;
	p2 =	por !p2, p0  }
0x20: {  	[sflag:s8] =	ssyncset.s32 @!p0 $0xFFFFF086;
	s6 =	sadd.s32 @!p0 s3, s7;
	s7 =	simm.s32 @!p0 $0x108  }
0x21: {  	s3 =	sadd.s32 s3, s9;
	s6 =	sadd.s32 @!p0 $0x88, s6;
	s7 =	simm.s32 @p2 $0x1082  }
0x22: {  	[simem:s7], [sflag:s8] =	dma.local @!p0 [hbm:s6], $0xF7A  }
0x23: {  	s9 =	sor.u32 $0xD0000000, s2;
	s6 =	simm.s32 $0x108;
	_ =	swait.ge @!p0 [sflag:s8], $0x0  }
0x24: {  	s3 =	sadd.s32 $0x88, s3;
	s6 =	simm.s32 @!p1 $0x1082;
	[sflag:s4] =	ssyncset.s32 $0xFFFFF086  }
0x25: {  	[simem:s6], [sflag:s4] =	dma.local [hbm:s3], $0xF7A  }
0x26: {  	[smem:$0x3F9B] =	sst s1;
	(tag) =	ssettag s2;
	_ =	strace s9  }
0x27: {  	s1 =	sld [smem:$0x3FAB]  }
0x28: {  	s2 =	sld [smem:$0x3FAC]  }
0x29: {  	s4 =	sld [smem:$0x3FAE]  }
0x2a: {  	p0 =	seq.s32 s5, $0x0;
	s5 =	sld [smem:$0x3FAF]  }
0x2b: {  	s6 =	sld [smem:$0x3FB0]  }
0x2c: {  	s7 =	sld [smem:$0x3FB1]  }
0x2d: {  	s3 =	simm.s32 $0x108;
	s8 =	sld [smem:$0x3FB2]  }
0x2e: {  	s3 =	simm.s32 @!p0 $0x1082;
	s9 =	sld [smem:$0x3FB3]  }
0x2f: {  	lr =	sadd.s32 s0, s3;
	s0 =	sld [smem:$0x3FAA]  }
0x30: {  	s3 =	sld [smem:$0x3FAD]  }
0x31: {  	[smem:$0x3FB6] =	sst s10  }
0x32: {  	s10 =	sld [smem:$0x3FB4];
	_ =	sdelay $0x3  }
0x33: {  	p0 =	seq.s32 s10, $0x1;
	s10 =	sld [smem:$0x3FB6];
	_ =	sdelay $0x3  }
0x34: {  	[smem:$0x3FB6] =	sst s10  }
0x35: {  	s10 =	sld [smem:$0x3FB5];
	_ =	sdelay $0x3  }
0x36: {  	p1 =	seq.s32 s10, $0x1;
	s10 =	sld [smem:$0x3FB6];
	_ =	sdelay $0x3  }
0x37: {  	[smem:$0x3FB6] =	sst s10  }
0x38: {  	s10 =	sld [smem:$0x3FB7]  }
0x39: {  	_ = 	snop;
	(pc) =	sbr.ind lr, $3  }
0x3a: {  	_ = 	snop  }
0x3b: {  	_ = 	snop  }
0x3c: {  	p2 =	seq.s32 s10, $0x1;
	s10 =	sld [smem:$0x3FB6]  }
0x3d: {  	_ =	shalt  }
0x3e: {  	_ =	shalt  }
0x3f: {  	_ =	shalt  }
0x40: {  	_ =	shalt  }
0x41: {  	_ =	shalt  }
0x42: {  	_ =	shalt  }
0x43: {  	_ =	shalt  }
0x44: {  	_ =	shalt  }
0x45: {  	_ =	shalt  }
0x46: {  	_ =	shalt  }
0x47: {  	_ =	shalt  }
0x48: {  	_ =	shalt  }
0x49: {  	_ =	shalt  }
0x4a: {  	_ =	shalt  }
0x4b: {  	_ =	shalt  }
0x4c: {  	_ =	shalt  }
0x4d: {  	_ =	shalt  }
0x4e: {  	_ =	shalt  }
0x4f: {  	_ =	shalt  }
0x50: {  	_ =	shalt  }
0x51: {  	_ =	shalt  }
0x52: {  	_ =	shalt  }
0x53: {  	_ =	shalt  }
0x54: {  	_ =	shalt  }
0x55: {  	_ =	shalt  }
0x56: {  	_ =	shalt  }
0x57: {  	_ =	shalt  }
0x58: {  	_ =	shalt  }
0x59: {  	_ =	shalt  }
0x5a: {  	_ =	shalt  }
0x5b: {  	_ =	shalt  }
0x5c: {  	_ =	shalt  }
0x5d: {  	_ =	shalt  }
0x5e: {  	_ =	shalt  }
0x5f: {  	_ =	shalt  }
0x60: {  	_ =	shalt  }
0x61: {  	_ =	shalt  }
0x62: {  	_ =	shalt  }
0x63: {  	_ =	shalt  }
0x64: {  	_ =	shalt  }
0x65: {  	_ =	shalt  }
0x66: {  	_ =	shalt  }
0x67: {  	_ =	shalt  }
0x68: {  	_ =	shalt  }
0x69: {  	_ =	shalt  }
0x6a: {  	_ =	shalt  }
0x6b: {  	_ =	shalt  }
0x6c: {  	_ =	shalt  }
0x6d: {  	_ =	shalt  }
0x6e: {  	_ =	shalt  }
0x6f: {  	_ =	shalt  }
0x70: {  	_ =	shalt  }
0x71: {  	_ =	shalt  }
0x72: {  	_ =	shalt  }
0x73: {  	_ =	shalt  }
0x74: {  	_ =	shalt  }
0x75: {  	_ =	shalt  }
0x76: {  	_ =	shalt  }
0x77: {  	_ =	shalt  }
0x78: {  	_ =	shalt  }
0x79: {  	_ =	shalt  }
0x7a: {  	_ =	shalt  }
0x7b: {  	_ =	shalt  }
0x7c: {  	_ =	shalt  }
0x7d: {  	_ =	shalt  }
0x7e: {  	_ =	shalt  }
0x7f: {  	_ =	shalt  }
0x80: {  	_ =	shalt  }
0x81: {  	_ =	shalt  }
0x82: {  	_ =	shalt  }
0x83: {  	_ =	shalt  }
0x84: {  	_ =	shalt  }
0x85: {  	_ =	shalt  }
0x86: {  	_ =	shalt  }
0x87: {  	_ =	shalt  }
.Lfunc_end0:
.L_simem_size_0:
called_computation.1_lowered:
.L_overlay_start_0:
0x88: {  	s2 =	sld [smem:$0x3FD9]  }
0x89: {  	s3 =	sld [smem:$0x3FFE];
	_ =	sdelay $0x1  }
0x8a: {  	s1 =	srdreg.scid  }
0x8b: {  	s0 =	sand.u32 $0x1, s1  }
0x8c: {  	s17 =	sshll.u32 s0, $0xA;
	s2 =	sadd.s32 s3, s2  }
0x8d: {  	s2 =	sadd.s32 s2, s17  }
0x8e: {  	[smem:$0x3FC2] =	sst s2  }
0x8f: {  	_ = 	snop  }
0x90: {  	s2 =	sld [smem:$0x3FD0];
	(tm) =	ssettm $0x1  }
0x91: {  	s18 =	sld [smem:$0x3FFB];
	_ =	sdelay $0x3  }
0x92: {  	_ =	strace s18  }
0x93: {  	s3 =	sld [smem:$0x3FFC];
	_ =	sdelay $0x3  }
0x94: {  	_ =	strace s3  }
0x95: {  	s3 =	sld [smem:$0x3FFD];
	_ =	sdelay $0x3  }
0x96: {  	_ =	strace s3  }
0x97: {  	_ =	strace $0x8FFFFFFF  }
0x98: {  	s19 =	sld [smem:$0x3FDB];
	_ =	sdelay $0x1  }
0x99: {  	s4 =	simm.s32 $_scs_section_size  }
0x9a: {  	s5 =	simm.s32 $_size__tile_overlayer_lowered;
	s6 =	simm.s32 $_tile_overlayer_lowered  }
0x9b: {  	s22 =	simm.s32 $0x1BFF;
	s21 =	sshll.u32 s6, $0x1;
	s3 =	sadd.s32 s4, s19  }
0x9c: {  	s7 =	simm.s32 $0x0;
	s20 =	sshll.u32 s5, $0x1;
	s5 =	sadd.s32 s21, s3  }
0x9d: {  	[timem:s7], [sflag:s22] =	dma.local [hbm:s5], s20  }
0x9e: {  	_ =	swait.ge [sflag:s22], s20  }
0x9f: {  	s4 =	ssub.s32 $0x0, s20;
	[sflag:s22] =	ssyncset.done $0x0  }
0xa0: {  	[sflag:s22] =	ssyncadd.s32 s4;
	_ =	sdelay $0x1  }
0xa1: {  	s23 =	simm.s32 $0x1B8B  }
0xa2: {  	_ =	swait.ge [sflag:s23], $0x1  }
0xa3: {  	[sflag:s23] =	ssyncset.done $0x0  }
0xa4: {  	s25 =	simm.s32 $0x1B8E;
	s24 =	sld [smem:$0x3FFE];
	[sflag:s23] =	ssyncadd.s32 $0xFFFFFFFF  }
0xa5: {  	s26 =	simm.s32 $execute0_lowered;
	[smem:$0x3FD2] =	sst s25  }
0xa6: {  	s5 =	sshll.u32 s26, $0x1;
	_ =	strace $0x80000049;
	[dreg:$0x1] =	wrdreg $0xFFFFFFFF  }
0xa7: {  	s28 =	simm.s32 $_size_execute0_lowered;
	s3 =	sadd.s32 s3, s5;
	[dreg:$0x0] =	wrdreg $0x0  }
0xa8: {  	s5 =	sshll.u32 s28, $0x1;
	[dreg:$0x2] =	wrdreg s3  }
0xa9: {  	[dreg:$0x3] =	wrdreg s5  }
0xaa: {  	[dreg:$0x4] =	wrdreg $0xC0  }
0xab: {  	_ =	task [dreg:s7], $0x5FFFF  }
0xac: {  	[dreg:$0x1] =	wrdreg $0xFFFFFFFF  }
0xad: {  	[dreg:$0x0] =	wrdreg $0x60  }
0xae: {  	[dreg:$0x2] =	wrdreg s24  }
0xaf: {  	[dreg:$0x3] =	wrdreg s2  }
0xb0: {  	[dreg:$0x4] =	wrdreg $0x90000  }
0xb1: {  	[dreg:$0x5] =	wrdreg $0x9  }
0xb2: {  	_ =	task.clear_ibuf [dreg:s7], $0x6FFFF;
	_ =	strace $0x90000049  }
0xb3: {  	s29 =	simm.s32 $0x9;
	_ =	strace $0x8000004B  }
0xb4: {  	_ =	swait.ge [sflag:s29], $0x1  }
0xb5: {  	[sflag:s29] =	ssyncadd.s32 $0xFFFFFFFF  }
0xb6: {  	_ =	strace $0x9000004B  }
0xb7: {  	_ =	sfence  }
0xb8: {  	s30 =	sld [smem:$0x0];
	_ =	sdelay $0x2  }
0xb9: {  	s31 =	sshll.u32 s1, $0xD;
	s1 =	sshrl.u32 s1, $0x2  }
0xba: {  	s3 =	sand.u32 $0x4000, s31;
	s1 =	sadd.s32 s1, s30  }
0xbb: {  	s0 =	sor.u32 s3, s0;
	s1 =	sshll.u32 s1, $0x11  }
0xbc: {  	s0 =	sor.u32 s1, s0  }
0xbd: {  	s0 =	sadd.s32 $0x8F2B, s0  }
0xbe: {  	[sflag:s0] =	ssyncadd.remote.s32 $0x1  }
0xbf: {  	_ =	sfence.sel $0xFFFF  }
0xc0: {  	[dreg:$0x0] =	wrdreg $0xFFFFFFFF;
	(pc) =	sbr.abs _section_cstart, $3  }
0xc1: {  	[dreg:$0x1] =	wrdreg $0xFFFFFFFF  }
0xc2: {  	_ =	task.clear_ibuf [dreg:s7], $0x2FFFF;
	_ =	strace $0x9FFFFFFF  }
0xc3: {  	(tm) =	ssettm $0x7FFFFFFF  }
tec
execute0_lowered:
.L_overlay_start_1:
0x0: {  	(tag) =	ssettag $0x1  }
0x1: {  	s5 =	rddreg [dreg:$0x0]  }
0x2: {  	s1 =	srdreg.scid;
	s6 =	rddreg [dreg:$0x1]  }
0x3: {  	s0 =	stileid.u32;
	s2 =	rddreg [dreg:$0x2];
	s3 =	simm.s32 $0x0  }
0x4: {  	s15 =	simm.s32 $0x5000;
	s16 =	simm.s32 $0x1;
	s17 =	simm.s32 $0x0  }
0x5: {  	s7 =	sand.u32 $0x1, s1;
	s1 =	rddreg [dreg:$0x3];
	s9 =	smul.u32 $0x13C00, s0  }
0x6: {  	s28 =	sshll.u32 s0, $0x1;
	[smem:$0x7FF] =	sst s3;
	s29 =	smul.u32 $0x4F000, s0  }
0x7: {  	s31 =	sshll.u32 s0, $0x6;
	s4 =	sor.u32 s7, s28;
	s10 =	smul.u32 $0x13C000, s7  }
0x8: {  	_ =	strace $0x8000004A;
	s7 =	ssub.s32 $0x2, s7;
	s8 =	smul.u32 $0x500, s4  }
0x9: {  	s4 =	sadd.s32 $0x1E00, s5;
	s12 =	sshrl.u32 s9, $0x3;
	s13 =	sshrl.u32 s7, $0x1  }
0xa: {  	s30 =	sshrl.u32 s29, $0x2;
	s9 =	sadd.s32 s9, s10;
	s12 =	sadd.s32 s12, s5  }
0xb: {  	s13 =	ssub.s32 s7, s13;
	s14 =	sadd.s32 s30, s2;
	s10 =	simm.s32 $0x2  }
0xc: {  	s11 =	sadd.s32 s8, s5;
	s9 =	sshrl.u32 s9, $0x3;
	s6 =	sadd.s32 s6, s8  }
0xd: {  	s7 =	sadd.s32 $0x29000, s12;
	s12 =	sor.u32 $0x1C02, s31;
	s9 =	sadd.s32 s9, s5  }
0xe: {  	s5 =	sadd.s32 $0x78E00, s11;
	s11 =	simm.s32 $0x2800;
	s8 =	sadd.s32 $0x82E00, s9  }
0xf: {  	s9 =	smax.u32 s13, $0x1;
	s13 =	sshrl.u32 s14, $0x3;
	s14 =	simm.s32 $0x7D  }
.LBB2_1:
0x10: {  	[tilespmem:s3], [sflag:$0x2] =	stream.linear.gather [hbm4b:s5+s3], $0x2800, $0x38;
	[tilespmem:$0x1CC00] =	vst v63  }
0x11: {  	_ =	swait.ge [sflag:s10], $0x2800  }
0x12: {  	[sflag:s10] =	ssyncset.done $0x0  }
0x13: {  	[sflag:s10] =	ssyncadd.s32 $0xFFFFD800  }
0x14: {  	[tilespmem:s11], [sflag:$0x2] =	stream.linear.gather [hbm4b:s6+s3], $0x2800, $0x38;
	[tilespmem:$0x1CC00] =	vst v63  }
0x15: {  	_ =	swait.ge [sflag:s10], $0x2800  }
0x16: {  	[sflag:s10] =	ssyncset.done $0x0  }
0x17: {  	[sflag:s10] =	ssyncadd.s32 $0xFFFFD800  }
0x18: {  	[spmem:s13], [sflag:s12] =	dma.local [hbm:s7], $0x2780  }
0x19: {  	_ =	swait.ge [sflag:s10], $0x2780  }
0x1a: {  	[sflag:s10] =	ssyncset.done $0x0  }
0x1b: {  	[sflag:s10] =	ssyncadd.s32 $0xFFFFD880  }
0x1c: {  	s18 =	simm.s32 $0x0;
	[bflag:$0x0] =	sbarrier.arrive $0xFFFF  }
0x1d: {  	[tilespmem:s15], [sflag:$0x1] =	stream.indirect.gather [hbm4b:s4+s14], $0x80, s18, s14, $0xb8;
	[tilespmem:$0x1CC00] =	vst v63  }
0x1e: {  	_ =	swait.ge [sflag:s16], $0x3E80  }
0x1f: {  	[sflag:s16] =	ssyncset.done $0x0  }
0x20: {  	s31 =	simm.s32 $0x2800;
	[sflag:s16] =	ssyncadd.s32 $0xFFFFC180  }
0x21: {  	[spmem:s2] =	stream.indirect.scatter.add.f32 [tilespmem:s15], [sflag:$0x2], $0x80, s31, s14, $0xb8;
	[tilespmem:$0x1CC00] =	vst v63  }
0x22: {  	_ =	swait.ge [sflag:s10], $0x3E80  }
0x23: {  	s19 =	simm.s32 $0x400;
	s18 =	simm.s32 $0x200;
	[sflag:s10] =	ssyncset.done $0x0  }
.LBB2_2:
0x24: {  	s20 =	sshra.s32 s18, $0x2  }
0x25: {  	[sflag:s10] =	ssyncadd.s32 $0xFFFFC180;
	s18 =	smov.u32 s19;
	s21 =	sadd.s32 $0x200, s19  }
0x26: {  	[tilespmem:s15], [sflag:$0x1] =	stream.indirect.gather [hbm4b:s4+s14], $0x80, s20, s14, $0xb8;
	[tilespmem:$0x1CC00] =	vst v63  }
0x27: {  	p0 =	sne.s32 s19, $0x9E00;
	_ =	swait.ge [sflag:s16], $0x3E80  }
.Ltmp0:
0x28: {  	[sflag:s16] =	ssyncset.done $0x0;
	(pc) =	sbr.rel @p0 .LBB2_2-.Ltmp0, $4  }
0x29: {  	s19 =	sadd.s32 $0x2800, s20;
	[sflag:s16] =	ssyncadd.s32 $0xFFFFC180  }
0x2a: {  	[spmem:s2] =	stream.indirect.scatter.add.f32 [tilespmem:s15], [sflag:$0x2], $0x80, s19, s14, $0xb8;
	[tilespmem:$0x1CC00] =	vst v63  }
0x2b: {  	_ =	swait.ge [sflag:s10], $0x3E80  }
0x2c: {  	s19 =	smov.u32 s21;
	[sflag:s10] =	ssyncset.done $0x0  }
0x2d: {  	s18 =	sshra.s32 s18, $0x2;
	[sflag:s10] =	ssyncadd.s32 $0xFFFFC180  }
0x2e: {  	[tilespmem:s15], [sflag:$0x1] =	stream.indirect.gather [hbm4b:s4+s14], $0x80, s18, s14, $0xb8;
	[tilespmem:$0x1CC00] =	vst v63  }
0x2f: {  	_ =	swait.ge [sflag:s16], $0x3E80  }
0x30: {  	[sflag:s16] =	ssyncset.done $0x0  }
0x31: {  	s18 =	sadd.s32 $0x2800, s18;
	[sflag:s16] =	ssyncadd.s32 $0xFFFFC180  }
0x32: {  	[spmem:s2] =	stream.indirect.scatter.add.f32 [tilespmem:s15], [sflag:$0x2], $0x80, s18, s14, $0xb8;
	[tilespmem:$0x1CC00] =	vst v63  }
0x33: {  	_ =	swait.ge [sflag:s10], $0x3E80  }
0x34: {  	s17 =	sadd.s32 $0x1, s17;
	[sflag:s10] =	ssyncset.done $0x0  }
0x35: {  	p0 =	sne.s32 s17, s9;
	[sflag:s10] =	ssyncadd.s32 $0xFFFFC180  }
.Ltmp1:
0x36: {  	[bflag:$0x0] =	sbarrier.arrive $0xFFFF;
	(pc) =	sbr.rel @p0 .LBB2_1-.Ltmp1, $4  }
0x37: {  	[hbm:s8], [sflag:s12] =	dma.local [spmem:s13], $0x2780  }
0x38: {  	_ =	swait.ge [sflag:s10], $0x2780  }
0x39: {  	[sflag:s10] =	ssyncset.done $0x0  }
0x3a: {  	[sflag:s10] =	ssyncadd.s32 $0xFFFFD880  }
0x3b: {  	_ =	sfence.sel $0x180000  }
0x3c: {  	[bflag:$0x0] =	sbarrier.arrive $0xFFFF  }
0x3d: {  	p0 =	sne.s32 s0, $0x0;
	_ =	strace $0x9000004A  }
0x3e: {  	s0 =	sadd.s32 @!p0 $0x100000, s1;
	[bflag:$0x2] =	sbarrier.arrive $0xFFFF  }
0x3f: {  	[sflag:s0] =	ssyncadd.tile.s32 @!p0 $0x1;
	_ =	shalt  }
.Lfunc_end2:
_tile_overlayer_lowered:
.L_overlay_start_2:
0x40: {  	(tag) =	ssettag $0x2  }
0x41: {  	s0 =	rddreg [dreg:$0x0];
	s2 =	stileid.u32  }
0x42: {  	s1 =	rddreg [dreg:$0x1];
	p0 =	sne.s32 s2, $0x0  }
0x43: {  	s3 =	rddreg [dreg:$0x2];
	[bflag:$0x3] =	sbarrier.arrive $0xFFFF;
	s2 =	simm.s32 @!p0 $0x1C02  }
0x44: {  	[timem:s3], [sflag:s2] =	dma.local @!p0 [hbm:s0], s1  }
0x45: {  	s0 =	simm.s32 @!p0 $0x2  }
0x46: {  	_ =	swait.ge @!p0 [sflag:s0], s1  }
0x47: {  	s1 =	ssub.s32 @!p0 $0x0, s1;
	[sflag:s0] =	ssyncset.done @!p0 $0x0  }
0x48: {  	[sflag:s0] =	ssyncadd.s32 @!p0 s1  }
0x49: {  	[bflag:$0x3] =	sbarrier.arrive $0xFFFF  }
0x4a: {  	_ =	shalt  }

// kernel: kernel.14.cloned.1.call-start
scs
__scs_entry_jumppad:
0x0: {  	(pc) =	sbr.rel $0x88, $3  }
0x1: {  	(tag) =	ssettag $0x0;
	lr =	simm.s32 $0x1  }
0x2: {  	[smem:$0x3F9B] =	sst lr;
	_ =	strace $0xD0000000  }
0x3: {  	_ = 	snop  }
0x4: {  	_ = 	snop  }
0x5: {  	_ = 	snop  }
0x6: {  	_ = 	snop  }
0x7: {  	_ = 	snop  }
__scs_overlays_trampoline_lowered:
0x8: {  	[smem:$0x3FAA] =	sst s0  }
0x9: {  	[smem:$0x3FAB] =	sst s1  }
0xa: {  	[smem:$0x3FAC] =	sst s2  }
0xb: {  	[smem:$0x3FAD] =	sst s3  }
0xc: {  	[smem:$0x3FAE] =	sst s4  }
0xd: {  	[smem:$0x3FAF] =	sst s5  }
0xe: {  	[smem:$0x3FB0] =	sst s6  }
0xf: {  	[smem:$0x3FB1] =	sst s7  }
0x10: {  	[smem:$0x3FB2] =	sst s8  }
0x11: {  	[smem:$0x3FB3] =	sst s9;
	s0 =	simm.s32 @!p0 $0x0  }
0x12: {  	s1 =	sld [smem:$0x3F99];
	s0 =	simm.s32 @p0 $0x1  }
0x13: {  	[smem:$0x3FB4] =	sst s0;
	s0 =	simm.s32 @!p1 $0x0  }
0x14: {  	s2 =	sld [smem:$0x3F98];
	s0 =	simm.s32 @p1 $0x1  }
0x15: {  	[smem:$0x3FB5] =	sst s0;
	s0 =	simm.s32 @!p2 $0x0  }
0x16: {  	s3 =	sld [smem:$0x3FDB];
	s0 =	simm.s32 @p2 $0x1  }
0x17: {  	s4 =	simm.s32 $0x1BF5;
	[smem:$0x3FB7] =	sst s0  }
0x18: {  	s0 =	sld [smem:$0x3F9A];
	_ =	swait.ge [sflag:s4], $0x0  }
0x19: {  	s7 =	sld [smem:$0x3F9B]  }
0x1a: {  	s8 =	sadd.s32 $0xFFFFE003, lr  }
0x1b: {  	s9 =	sadd.s32 $0xFFFFFEF7, lr;
	s5 =	simm.s32 $0xFFFFFFFF;
	p2 =	slt.u32 s8, $0xFFFFF086  }
0x1c: {  	p1 =	slt.u32 s9, $0xF7A;
	s5 =	simm.s32 @!p2 $0x0  }
0x1d: {  	s5 =	simm.s32 @p1 $0x1;
	p0 =	seq.s32 s7, s2  }
0x1e: {  	s7 =	smul.u32 @!p0 $0xF7A, s2;
	p2 =	seq.s32 @!p0 s5, $0x0  }
0x1f: {  	s9 =	smul.u32 $0xF7A, s1;
	s8 =	simm.s32 @!p0 $0x1BF5;
	p2 =	por !p2, p0  }
0x20: {  	[sflag:s8] =	ssyncset.s32 @!p0 $0xFFFFF086;
	s6 =	sadd.s32 @!p0 s3, s7;
	s7 =	simm.s32 @!p0 $0x108  }
0x21: {  	s3 =	sadd.s32 s3, s9;
	s6 =	sadd.s32 @!p0 $0x88, s6;
	s7 =	simm.s32 @p2 $0x1082  }
0x22: {  	[simem:s7], [sflag:s8] =	dma.local @!p0 [hbm:s6], $0xF7A  }
0x23: {  	s9 =	sor.u32 $0xD0000000, s2;
	s6 =	simm.s32 $0x108;
	_ =	swait.ge @!p0 [sflag:s8], $0x0  }
0x24: {  	s3 =	sadd.s32 $0x88, s3;
	s6 =	simm.s32 @!p1 $0x1082;
	[sflag:s4] =	ssyncset.s32 $0xFFFFF086  }
0x25: {  	[simem:s6], [sflag:s4] =	dma.local [hbm:s3], $0xF7A  }
0x26: {  	[smem:$0x3F9B] =	sst s1;
	(tag) =	ssettag s2;
	_ =	strace s9  }
0x27: {  	s1 =	sld [smem:$0x3FAB]  }
0x28: {  	s2 =	sld [smem:$0x3FAC]  }
0x29: {  	s4 =	sld [smem:$0x3FAE]  }
0x2a: {  	p0 =	seq.s32 s5, $0x0;
	s5 =	sld [smem:$0x3FAF]  }
0x2b: {  	s6 =	sld [smem:$0x3FB0]  }
0x2c: {  	s7 =	sld [smem:$0x3FB1]  }
0x2d: {  	s3 =	simm.s32 $0x108;
	s8 =	sld [smem:$0x3FB2]  }
0x2e: {  	s3 =	simm.s32 @!p0 $0x1082;
	s9 =	sld [smem:$0x3FB3]  }
0x2f: {  	lr =	sadd.s32 s0, s3;
	s0 =	sld [smem:$0x3FAA]  }
0x30: {  	s3 =	sld [smem:$0x3FAD]  }
0x31: {  	[smem:$0x3FB6] =	sst s10  }
0x32: {  	s10 =	sld [smem:$0x3FB4];
	_ =	sdelay $0x3  }
0x33: {  	p0 =	seq.s32 s10, $0x1;
	s10 =	sld [smem:$0x3FB6];
	_ =	sdelay $0x3  }
0x34: {  	[smem:$0x3FB6] =	sst s10  }
0x35: {  	s10 =	sld [smem:$0x3FB5];
	_ =	sdelay $0x3  }
0x36: {  	p1 =	seq.s32 s10, $0x1;
	s10 =	sld [smem:$0x3FB6];
	_ =	sdelay $0x3  }
0x37: {  	[smem:$0x3FB6] =	sst s10  }
0x38: {  	s10 =	sld [smem:$0x3FB7]  }
0x39: {  	_ = 	snop;
	(pc) =	sbr.ind lr, $3  }
0x3a: {  	_ = 	snop  }
0x3b: {  	_ = 	snop  }
0x3c: {  	p2 =	seq.s32 s10, $0x1;
	s10 =	sld [smem:$0x3FB6]  }
0x3d: {  	_ =	shalt  }
0x3e: {  	_ =	shalt  }
0x3f: {  	_ =	shalt  }
0x40: {  	_ =	shalt  }
0x41: {  	_ =	shalt  }
0x42: {  	_ =	shalt  }
0x43: {  	_ =	shalt  }
0x44: {  	_ =	shalt  }
0x45: {  	_ =	shalt  }
0x46: {  	_ =	shalt  }
0x47: {  	_ =	shalt  }
0x48: {  	_ =	shalt  }
0x49: {  	_ =	shalt  }
0x4a: {  	_ =	shalt  }
0x4b: {  	_ =	shalt  }
0x4c: {  	_ =	shalt  }
0x4d: {  	_ =	shalt  }
0x4e: {  	_ =	shalt  }
0x4f: {  	_ =	shalt  }
0x50: {  	_ =	shalt  }
0x51: {  	_ =	shalt  }
0x52: {  	_ =	shalt  }
0x53: {  	_ =	shalt  }
0x54: {  	_ =	shalt  }
0x55: {  	_ =	shalt  }
0x56: {  	_ =	shalt  }
0x57: {  	_ =	shalt  }
0x58: {  	_ =	shalt  }
0x59: {  	_ =	shalt  }
0x5a: {  	_ =	shalt  }
0x5b: {  	_ =	shalt  }
0x5c: {  	_ =	shalt  }
0x5d: {  	_ =	shalt  }
0x5e: {  	_ =	shalt  }
0x5f: {  	_ =	shalt  }
0x60: {  	_ =	shalt  }
0x61: {  	_ =	shalt  }
0x62: {  	_ =	shalt  }
0x63: {  	_ =	shalt  }
0x64: {  	_ =	shalt  }
0x65: {  	_ =	shalt  }
0x66: {  	_ =	shalt  }
0x67: {  	_ =	shalt  }
0x68: {  	_ =	shalt  }
0x69: {  	_ =	shalt  }
0x6a: {  	_ =	shalt  }
0x6b: {  	_ =	shalt  }
0x6c: {  	_ =	shalt  }
0x6d: {  	_ =	shalt  }
0x6e: {  	_ =	shalt  }
0x6f: {  	_ =	shalt  }
0x70: {  	_ =	shalt  }
0x71: {  	_ =	shalt  }
0x72: {  	_ =	shalt  }
0x73: {  	_ =	shalt  }
0x74: {  	_ =	shalt  }
0x75: {  	_ =	shalt  }
0x76: {  	_ =	shalt  }
0x77: {  	_ =	shalt  }
0x78: {  	_ =	shalt  }
0x79: {  	_ =	shalt  }
0x7a: {  	_ =	shalt  }
0x7b: {  	_ =	shalt  }
0x7c: {  	_ =	shalt  }
0x7d: {  	_ =	shalt  }
0x7e: {  	_ =	shalt  }
0x7f: {  	_ =	shalt  }
0x80: {  	_ =	shalt  }
0x81: {  	_ =	shalt  }
0x82: {  	_ =	shalt  }
0x83: {  	_ =	shalt  }
0x84: {  	_ =	shalt  }
0x85: {  	_ =	shalt  }
0x86: {  	_ =	shalt  }
0x87: {  	_ =	shalt  }
.Lfunc_end0:
.L_simem_size_0:
called_computation.2_lowered:
.L_overlay_start_0:
0x88: {  	s2 =	sld [smem:$0x3FD9]  }
0x89: {  	s3 =	sld [smem:$0x3FFE];
	_ =	sdelay $0x1  }
0x8a: {  	s1 =	srdreg.scid  }
0x8b: {  	s0 =	sand.u32 $0x1, s1  }
0x8c: {  	s17 =	sshll.u32 s0, $0xA;
	s2 =	sadd.s32 s3, s2  }
0x8d: {  	s2 =	sadd.s32 s2, s17  }
0x8e: {  	[smem:$0x3FC2] =	sst s2  }
0x8f: {  	_ = 	snop  }
0x90: {  	s2 =	sld [smem:$0x3FD0];
	(tm) =	ssettm $0x1  }
0x91: {  	s18 =	sld [smem:$0x3FFB];
	_ =	sdelay $0x3  }
0x92: {  	_ =	strace s18  }
0x93: {  	s3 =	sld [smem:$0x3FFC];
	_ =	sdelay $0x3  }
0x94: {  	_ =	strace s3  }
0x95: {  	s3 =	sld [smem:$0x3FFD];
	_ =	sdelay $0x3  }
0x96: {  	_ =	strace s3  }
0x97: {  	_ =	strace $0x8FFFFFFF  }
0x98: {  	s19 =	sld [smem:$0x3FDB];
	_ =	sdelay $0x1  }
0x99: {  	s4 =	simm.s32 $_scs_section_size  }
0x9a: {  	s5 =	simm.s32 $_size__tile_overlayer_lowered;
	s6 =	simm.s32 $_tile_overlayer_lowered  }
0x9b: {  	s22 =	simm.s32 $0x1BFF;
	s21 =	sshll.u32 s6, $0x1;
	s3 =	sadd.s32 s4, s19  }
0x9c: {  	s7 =	simm.s32 $0x0;
	s20 =	sshll.u32 s5, $0x1;
	s5 =	sadd.s32 s21, s3  }
0x9d: {  	[timem:s7], [sflag:s22] =	dma.local [hbm:s5], s20  }
0x9e: {  	_ =	swait.ge [sflag:s22], s20  }
0x9f: {  	s4 =	ssub.s32 $0x0, s20;
	[sflag:s22] =	ssyncset.done $0x0  }
0xa0: {  	[sflag:s22] =	ssyncadd.s32 s4;
	_ =	sdelay $0x1  }
0xa1: {  	s23 =	simm.s32 $0x1B8B  }
0xa2: {  	_ =	swait.ge [sflag:s23], $0x1  }
0xa3: {  	[sflag:s23] =	ssyncset.done $0x0  }
0xa4: {  	s25 =	simm.s32 $0x1B8E;
	s24 =	sld [smem:$0x3FFE];
	[sflag:s23] =	ssyncadd.s32 $0xFFFFFFFF  }
0xa5: {  	s26 =	simm.s32 $execute0_lowered;
	[smem:$0x3FD2] =	sst s25  }
0xa6: {  	s5 =	sshll.u32 s26, $0x1;
	_ =	strace $0x8000004C;
	[dreg:$0x1] =	wrdreg $0xFFFFFFFF  }
0xa7: {  	s28 =	simm.s32 $_size_execute0_lowered;
	s3 =	sadd.s32 s3, s5;
	[dreg:$0x0] =	wrdreg $0x0  }
0xa8: {  	s5 =	sshll.u32 s28, $0x1;
	[dreg:$0x2] =	wrdreg s3  }
0xa9: {  	[dreg:$0x3] =	wrdreg s5  }
0xaa: {  	[dreg:$0x4] =	wrdreg $0xC0  }
0xab: {  	_ =	task [dreg:s7], $0x5FFFF  }
0xac: {  	[dreg:$0x1] =	wrdreg $0xFFFFFFFF  }
0xad: {  	[dreg:$0x0] =	wrdreg $0x60  }
0xae: {  	[dreg:$0x2] =	wrdreg s24  }
0xaf: {  	[dreg:$0x3] =	wrdreg s2  }
0xb0: {  	[dreg:$0x4] =	wrdreg $0x90000  }
0xb1: {  	[dreg:$0x5] =	wrdreg $0x9  }
0xb2: {  	_ =	task.clear_ibuf [dreg:s7], $0x6FFFF;
	_ =	strace $0x9000004C  }
0xb3: {  	s29 =	simm.s32 $0x9;
	_ =	strace $0x8000004E  }
0xb4: {  	_ =	swait.ge [sflag:s29], $0x1  }
0xb5: {  	[sflag:s29] =	ssyncadd.s32 $0xFFFFFFFF  }
0xb6: {  	_ =	strace $0x9000004E  }
0xb7: {  	_ =	sfence  }
0xb8: {  	s30 =	sld [smem:$0x0];
	_ =	sdelay $0x2  }
0xb9: {  	s31 =	sshll.u32 s1, $0xD;
	s1 =	sshrl.u32 s1, $0x2  }
0xba: {  	s3 =	sand.u32 $0x4000, s31;
	s1 =	sadd.s32 s1, s30  }
0xbb: {  	s0 =	sor.u32 s3, s0;
	s1 =	sshll.u32 s1, $0x11  }
0xbc: {  	s0 =	sor.u32 s1, s0  }
0xbd: {  	s0 =	sadd.s32 $0x8F2B, s0  }
0xbe: {  	[sflag:s0] =	ssyncadd.remote.s32 $0x1  }
0xbf: {  	_ =	sfence.sel $0xFFFF  }
0xc0: {  	[dreg:$0x0] =	wrdreg $0xFFFFFFFF;
	(pc) =	sbr.abs _section_cstart, $3  }
0xc1: {  	[dreg:$0x1] =	wrdreg $0xFFFFFFFF  }
0xc2: {  	_ =	task.clear_ibuf [dreg:s7], $0x2FFFF;
	_ =	strace $0x9FFFFFFF  }
0xc3: {  	(tm) =	ssettm $0x7FFFFFFF  }
tec
execute0_lowered:
.L_overlay_start_1:
0x0: {  	(tag) =	ssettag $0x1  }
0x1: {  	s5 =	rddreg [dreg:$0x0]  }
0x2: {  	s1 =	srdreg.scid;
	s6 =	rddreg [dreg:$0x1]  }
0x3: {  	s0 =	stileid.u32;
	s2 =	rddreg [dreg:$0x2];
	s3 =	simm.s32 $0x0  }
0x4: {  	s15 =	simm.s32 $0x5000;
	s16 =	simm.s32 $0x1;
	s17 =	simm.s32 $0x0  }
0x5: {  	s7 =	sand.u32 $0x1, s1;
	s1 =	rddreg [dreg:$0x3];
	s9 =	smul.u32 $0x13C00, s0  }
0x6: {  	s28 =	sshll.u32 s0, $0x1;
	[smem:$0x7FF] =	sst s3;
	s29 =	smul.u32 $0x4F000, s0  }
0x7: {  	s31 =	sshll.u32 s0, $0x6;
	s4 =	sor.u32 s7, s28;
	s10 =	smul.u32 $0x13C000, s7  }
0x8: {  	_ =	strace $0x8000004D;
	s7 =	ssub.s32 $0x2, s7;
	s8 =	smul.u32 $0x500, s4  }
0x9: {  	s4 =	sadd.s32 $0x1E00, s5;
	s12 =	sshrl.u32 s9, $0x3;
	s13 =	sshrl.u32 s7, $0x1  }
0xa: {  	s30 =	sshrl.u32 s29, $0x2;
	s9 =	sadd.s32 s9, s10;
	s12 =	sadd.s32 s12, s5  }
0xb: {  	s13 =	ssub.s32 s7, s13;
	s14 =	sadd.s32 s30, s2;
	s10 =	simm.s32 $0x2  }
0xc: {  	s11 =	sadd.s32 s8, s5;
	s9 =	sshrl.u32 s9, $0x3;
	s6 =	sadd.s32 s6, s8  }
0xd: {  	s7 =	sadd.s32 $0x29000, s12;
	s12 =	sor.u32 $0x1C02, s31;
	s9 =	sadd.s32 s9, s5  }
0xe: {  	s5 =	sadd.s32 $0x78E00, s11;
	s11 =	simm.s32 $0x2800;
	s8 =	sadd.s32 $0x82E00, s9  }
0xf: {  	s9 =	smax.u32 s13, $0x1;
	s13 =	sshrl.u32 s14, $0x3;
	s14 =	simm.s32 $0x7D  }
.LBB2_1:
0x10: {  	[tilespmem:s3], [sflag:$0x2] =	stream.linear.gather [hbm4b:s5+s3], $0x2800, $0x38;
	[tilespmem:$0x1CC00] =	vst v63  }
0x11: {  	_ =	swait.ge [sflag:s10], $0x2800  }
0x12: {  	[sflag:s10] =	ssyncset.done $0x0  }
0x13: {  	[sflag:s10] =	ssyncadd.s32 $0xFFFFD800  }
0x14: {  	[tilespmem:s11], [sflag:$0x2] =	stream.linear.gather [hbm4b:s6+s3], $0x2800, $0x38;
	[tilespmem:$0x1CC00] =	vst v63  }
0x15: {  	_ =	swait.ge [sflag:s10], $0x2800  }
0x16: {  	[sflag:s10] =	ssyncset.done $0x0  }
0x17: {  	[sflag:s10] =	ssyncadd.s32 $0xFFFFD800  }
0x18: {  	[spmem:s13], [sflag:s12] =	dma.local [hbm:s7], $0x2780  }
0x19: {  	_ =	swait.ge [sflag:s10], $0x2780  }
0x1a: {  	[sflag:s10] =	ssyncset.done $0x0  }
0x1b: {  	[sflag:s10] =	ssyncadd.s32 $0xFFFFD880  }
0x1c: {  	s18 =	simm.s32 $0x0;
	[bflag:$0x0] =	sbarrier.arrive $0xFFFF  }
0x1d: {  	[tilespmem:s15], [sflag:$0x1] =	stream.indirect.gather [hbm4b:s4+s14], $0x80, s18, s14, $0xb8;
	[tilespmem:$0x1CC00] =	vst v63  }
0x1e: {  	_ =	swait.ge [sflag:s16], $0x3E80  }
0x1f: {  	[sflag:s16] =	ssyncset.done $0x0  }
0x20: {  	s31 =	simm.s32 $0x2800;
	[sflag:s16] =	ssyncadd.s32 $0xFFFFC180  }
0x21: {  	[spmem:s2] =	stream.indirect.scatter.add.f32 [tilespmem:s15], [sflag:$0x2], $0x80, s31, s14, $0xb8;
	[tilespmem:$0x1CC00] =	vst v63  }
0x22: {  	_ =	swait.ge [sflag:s10], $0x3E80  }
0x23: {  	s19 =	simm.s32 $0x400;
	s18 =	simm.s32 $0x200;
	[sflag:s10] =	ssyncset.done $0x0  }
.LBB2_2:
0x24: {  	s20 =	sshra.s32 s18, $0x2  }
0x25: {  	[sflag:s10] =	ssyncadd.s32 $0xFFFFC180;
	s18 =	smov.u32 s19;
	s21 =	sadd.s32 $0x200, s19  }
0x26: {  	[tilespmem:s15], [sflag:$0x1] =	stream.indirect.gather [hbm4b:s4+s14], $0x80, s20, s14, $0xb8;
	[tilespmem:$0x1CC00] =	vst v63  }
0x27: {  	p0 =	sne.s32 s19, $0x9E00;
	_ =	swait.ge [sflag:s16], $0x3E80  }
.Ltmp0:
0x28: {  	[sflag:s16] =	ssyncset.done $0x0;
	(pc) =	sbr.rel @p0 .LBB2_2-.Ltmp0, $4  }
0x29: {  	s19 =	sadd.s32 $0x2800, s20;
	[sflag:s16] =	ssyncadd.s32 $0xFFFFC180  }
0x2a: {  	[spmem:s2] =	stream.indirect.scatter.add.f32 [tilespmem:s15], [sflag:$0x2], $0x80, s19, s14, $0xb8;
	[tilespmem:$0x1CC00] =	vst v63  }
0x2b: {  	_ =	swait.ge [sflag:s10], $0x3E80  }
0x2c: {  	s19 =	smov.u32 s21;
	[sflag:s10] =	ssyncset.done $0x0  }
0x2d: {  	s18 =	sshra.s32 s18, $0x2;
	[sflag:s10] =	ssyncadd.s32 $0xFFFFC180  }
0x2e: {  	[tilespmem:s15], [sflag:$0x1] =	stream.indirect.gather [hbm4b:s4+s14], $0x80, s18, s14, $0xb8;
	[tilespmem:$0x1CC00] =	vst v63  }
0x2f: {  	_ =	swait.ge [sflag:s16], $0x3E80  }
0x30: {  	[sflag:s16] =	ssyncset.done $0x0  }
0x31: {  	s18 =	sadd.s32 $0x2800, s18;
	[sflag:s16] =	ssyncadd.s32 $0xFFFFC180  }
0x32: {  	[spmem:s2] =	stream.indirect.scatter.add.f32 [tilespmem:s15], [sflag:$0x2], $0x80, s18, s14, $0xb8;
	[tilespmem:$0x1CC00] =	vst v63  }
0x33: {  	_ =	swait.ge [sflag:s10], $0x3E80  }
0x34: {  	s17 =	sadd.s32 $0x1, s17;
	[sflag:s10] =	ssyncset.done $0x0  }
0x35: {  	p0 =	sne.s32 s17, s9;
	[sflag:s10] =	ssyncadd.s32 $0xFFFFC180  }
.Ltmp1:
0x36: {  	[bflag:$0x0] =	sbarrier.arrive $0xFFFF;
	(pc) =	sbr.rel @p0 .LBB2_1-.Ltmp1, $4  }
0x37: {  	[hbm:s8], [sflag:s12] =	dma.local [spmem:s13], $0x2780  }
0x38: {  	_ =	swait.ge [sflag:s10], $0x2780  }
0x39: {  	[sflag:s10] =	ssyncset.done $0x0  }
0x3a: {  	[sflag:s10] =	ssyncadd.s32 $0xFFFFD880  }
0x3b: {  	_ =	sfence.sel $0x180000  }
0x3c: {  	[bflag:$0x0] =	sbarrier.arrive $0xFFFF  }
0x3d: {  	p0 =	sne.s32 s0, $0x0;
	_ =	strace $0x9000004D  }
0x3e: {  	s0 =	sadd.s32 @!p0 $0x100000, s1;
	[bflag:$0x2] =	sbarrier.arrive $0xFFFF  }
0x3f: {  	[sflag:s0] =	ssyncadd.tile.s32 @!p0 $0x1;
	_ =	shalt  }
.Lfunc_end2:
_tile_overlayer_lowered:
.L_overlay_start_2:
0x40: {  	(tag) =	ssettag $0x2  }
0x41: {  	s0 =	rddreg [dreg:$0x0];
	s2 =	stileid.u32  }
0x42: {  	s1 =	rddreg [dreg:$0x1];
	p0 =	sne.s32 s2, $0x0  }
0x43: {  	s3 =	rddreg [dreg:$0x2];
	[bflag:$0x3] =	sbarrier.arrive $0xFFFF;
	s2 =	simm.s32 @!p0 $0x1C02  }
0x44: {  	[timem:s3], [sflag:s2] =	dma.local @!p0 [hbm:s0], s1  }
0x45: {  	s0 =	simm.s32 @!p0 $0x2  }
0x46: {  	_ =	swait.ge @!p0 [sflag:s0], s1  }
0x47: {  	s1 =	ssub.s32 @!p0 $0x0, s1;
	[sflag:s0] =	ssyncset.done @!p0 $0x0  }
0x48: {  	[sflag:s0] =	ssyncadd.s32 @!p0 s1  }
0x49: {  	[bflag:$0x3] =	sbarrier.arrive $0xFFFF  }
0x4a: {  	_ =	shalt  }

// kernel: kernel.8.cloned.1.call-start
scs
__scs_entry_jumppad:
0x0: {  	(pc) =	sbr.rel $0x88, $3  }
0x1: {  	(tag) =	ssettag $0x0;
	lr =	simm.s32 $0x1  }
0x2: {  	[smem:$0x3F9B] =	sst lr;
	_ =	strace $0xD0000000  }
0x3: {  	_ = 	snop  }
0x4: {  	_ = 	snop  }
0x5: {  	_ = 	snop  }
0x6: {  	_ = 	snop  }
0x7: {  	_ = 	snop  }
__scs_overlays_trampoline_lowered:
0x8: {  	[smem:$0x3FAA] =	sst s0  }
0x9: {  	[smem:$0x3FAB] =	sst s1  }
0xa: {  	[smem:$0x3FAC] =	sst s2  }
0xb: {  	[smem:$0x3FAD] =	sst s3  }
0xc: {  	[smem:$0x3FAE] =	sst s4  }
0xd: {  	[smem:$0x3FAF] =	sst s5  }
0xe: {  	[smem:$0x3FB0] =	sst s6  }
0xf: {  	[smem:$0x3FB1] =	sst s7  }
0x10: {  	[smem:$0x3FB2] =	sst s8  }
0x11: {  	[smem:$0x3FB3] =	sst s9;
	s0 =	simm.s32 @!p0 $0x0  }
0x12: {  	s1 =	sld [smem:$0x3F99];
	s0 =	simm.s32 @p0 $0x1  }
0x13: {  	[smem:$0x3FB4] =	sst s0;
	s0 =	simm.s32 @!p1 $0x0  }
0x14: {  	s2 =	sld [smem:$0x3F98];
	s0 =	simm.s32 @p1 $0x1  }
0x15: {  	[smem:$0x3FB5] =	sst s0;
	s0 =	simm.s32 @!p2 $0x0  }
0x16: {  	s3 =	sld [smem:$0x3FDB];
	s0 =	simm.s32 @p2 $0x1  }
0x17: {  	s4 =	simm.s32 $0x1BF5;
	[smem:$0x3FB7] =	sst s0  }
0x18: {  	s0 =	sld [smem:$0x3F9A];
	_ =	swait.ge [sflag:s4], $0x0  }
0x19: {  	s7 =	sld [smem:$0x3F9B]  }
0x1a: {  	s8 =	sadd.s32 $0xFFFFE003, lr  }
0x1b: {  	s9 =	sadd.s32 $0xFFFFFEF7, lr;
	s5 =	simm.s32 $0xFFFFFFFF;
	p2 =	slt.u32 s8, $0xFFFFF086  }
0x1c: {  	p1 =	slt.u32 s9, $0xF7A;
	s5 =	simm.s32 @!p2 $0x0  }
0x1d: {  	s5 =	simm.s32 @p1 $0x1;
	p0 =	seq.s32 s7, s2  }
0x1e: {  	s7 =	smul.u32 @!p0 $0xF7A, s2;
	p2 =	seq.s32 @!p0 s5, $0x0  }
0x1f: {  	s9 =	smul.u32 $0xF7A, s1;
	s8 =	simm.s32 @!p0 $0x1BF5;
	p2 =	por !p2, p0  }
0x20: {  	[sflag:s8] =	ssyncset.s32 @!p0 $0xFFFFF086;
	s6 =	sadd.s32 @!p0 s3, s7;
	s7 =	simm.s32 @!p0 $0x108  }
0x21: {  	s3 =	sadd.s32 s3, s9;
	s6 =	sadd.s32 @!p0 $0x88, s6;
	s7 =	simm.s32 @p2 $0x1082  }
0x22: {  	[simem:s7], [sflag:s8] =	dma.local @!p0 [hbm:s6], $0xF7A  }
0x23: {  	s9 =	sor.u32 $0xD0000000, s2;
	s6 =	simm.s32 $0x108;
	_ =	swait.ge @!p0 [sflag:s8], $0x0  }
0x24: {  	s3 =	sadd.s32 $0x88, s3;
	s6 =	simm.s32 @!p1 $0x1082;
	[sflag:s4] =	ssyncset.s32 $0xFFFFF086  }
0x25: {  	[simem:s6], [sflag:s4] =	dma.local [hbm:s3], $0xF7A  }
0x26: {  	[smem:$0x3F9B] =	sst s1;
	(tag) =	ssettag s2;
	_ =	strace s9  }
0x27: {  	s1 =	sld [smem:$0x3FAB]  }
0x28: {  	s2 =	sld [smem:$0x3FAC]  }
0x29: {  	s4 =	sld [smem:$0x3FAE]  }
0x2a: {  	p0 =	seq.s32 s5, $0x0;
	s5 =	sld [smem:$0x3FAF]  }
0x2b: {  	s6 =	sld [smem:$0x3FB0]  }
0x2c: {  	s7 =	sld [smem:$0x3FB1]  }
0x2d: {  	s3 =	simm.s32 $0x108;
	s8 =	sld [smem:$0x3FB2]  }
0x2e: {  	s3 =	simm.s32 @!p0 $0x1082;
	s9 =	sld [smem:$0x3FB3]  }
0x2f: {  	lr =	sadd.s32 s0, s3;
	s0 =	sld [smem:$0x3FAA]  }
0x30: {  	s3 =	sld [smem:$0x3FAD]  }
0x31: {  	[smem:$0x3FB6] =	sst s10  }
0x32: {  	s10 =	sld [smem:$0x3FB4];
	_ =	sdelay $0x3  }
0x33: {  	p0 =	seq.s32 s10, $0x1;
	s10 =	sld [smem:$0x3FB6];
	_ =	sdelay $0x3  }
0x34: {  	[smem:$0x3FB6] =	sst s10  }
0x35: {  	s10 =	sld [smem:$0x3FB5];
	_ =	sdelay $0x3  }
0x36: {  	p1 =	seq.s32 s10, $0x1;
	s10 =	sld [smem:$0x3FB6];
	_ =	sdelay $0x3  }
0x37: {  	[smem:$0x3FB6] =	sst s10  }
0x38: {  	s10 =	sld [smem:$0x3FB7]  }
0x39: {  	_ = 	snop;
	(pc) =	sbr.ind lr, $3  }
0x3a: {  	_ = 	snop  }
0x3b: {  	_ = 	snop  }
0x3c: {  	p2 =	seq.s32 s10, $0x1;
	s10 =	sld [smem:$0x3FB6]  }
0x3d: {  	_ =	shalt  }
0x3e: {  	_ =	shalt  }
0x3f: {  	_ =	shalt  }
0x40: {  	_ =	shalt  }
0x41: {  	_ =	shalt  }
0x42: {  	_ =	shalt  }
0x43: {  	_ =	shalt  }
0x44: {  	_ =	shalt  }
0x45: {  	_ =	shalt  }
0x46: {  	_ =	shalt  }
0x47: {  	_ =	shalt  }
0x48: {  	_ =	shalt  }
0x49: {  	_ =	shalt  }
0x4a: {  	_ =	shalt  }
0x4b: {  	_ =	shalt  }
0x4c: {  	_ =	shalt  }
0x4d: {  	_ =	shalt  }
0x4e: {  	_ =	shalt  }
0x4f: {  	_ =	shalt  }
0x50: {  	_ =	shalt  }
0x51: {  	_ =	shalt  }
0x52: {  	_ =	shalt  }
0x53: {  	_ =	shalt  }
0x54: {  	_ =	shalt  }
0x55: {  	_ =	shalt  }
0x56: {  	_ =	shalt  }
0x57: {  	_ =	shalt  }
0x58: {  	_ =	shalt  }
0x59: {  	_ =	shalt  }
0x5a: {  	_ =	shalt  }
0x5b: {  	_ =	shalt  }
0x5c: {  	_ =	shalt  }
0x5d: {  	_ =	shalt  }
0x5e: {  	_ =	shalt  }
0x5f: {  	_ =	shalt  }
0x60: {  	_ =	shalt  }
0x61: {  	_ =	shalt  }
0x62: {  	_ =	shalt  }
0x63: {  	_ =	shalt  }
0x64: {  	_ =	shalt  }
0x65: {  	_ =	shalt  }
0x66: {  	_ =	shalt  }
0x67: {  	_ =	shalt  }
0x68: {  	_ =	shalt  }
0x69: {  	_ =	shalt  }
0x6a: {  	_ =	shalt  }
0x6b: {  	_ =	shalt  }
0x6c: {  	_ =	shalt  }
0x6d: {  	_ =	shalt  }
0x6e: {  	_ =	shalt  }
0x6f: {  	_ =	shalt  }
0x70: {  	_ =	shalt  }
0x71: {  	_ =	shalt  }
0x72: {  	_ =	shalt  }
0x73: {  	_ =	shalt  }
0x74: {  	_ =	shalt  }
0x75: {  	_ =	shalt  }
0x76: {  	_ =	shalt  }
0x77: {  	_ =	shalt  }
0x78: {  	_ =	shalt  }
0x79: {  	_ =	shalt  }
0x7a: {  	_ =	shalt  }
0x7b: {  	_ =	shalt  }
0x7c: {  	_ =	shalt  }
0x7d: {  	_ =	shalt  }
0x7e: {  	_ =	shalt  }
0x7f: {  	_ =	shalt  }
0x80: {  	_ =	shalt  }
0x81: {  	_ =	shalt  }
0x82: {  	_ =	shalt  }
0x83: {  	_ =	shalt  }
0x84: {  	_ =	shalt  }
0x85: {  	_ =	shalt  }
0x86: {  	_ =	shalt  }
0x87: {  	_ =	shalt  }
.Lfunc_end0:
.L_simem_size_0:
called_computation_lowered:
.L_overlay_start_0:
0x88: {  	s2 =	sld [smem:$0x3FD9]  }
0x89: {  	s3 =	sld [smem:$0x3FFE];
	_ =	sdelay $0x1  }
0x8a: {  	s1 =	srdreg.scid  }
0x8b: {  	s0 =	sand.u32 $0x1, s1  }
0x8c: {  	s17 =	sshll.u32 s0, $0xA;
	s2 =	sadd.s32 s3, s2  }
0x8d: {  	s2 =	sadd.s32 s2, s17  }
0x8e: {  	[smem:$0x3FC2] =	sst s2  }
0x8f: {  	_ = 	snop  }
0x90: {  	s2 =	sld [smem:$0x3FD0];
	(tm) =	ssettm $0x1  }
0x91: {  	s18 =	sld [smem:$0x3FFB];
	_ =	sdelay $0x3  }
0x92: {  	_ =	strace s18  }
0x93: {  	s3 =	sld [smem:$0x3FFC];
	_ =	sdelay $0x3  }
0x94: {  	_ =	strace s3  }
0x95: {  	s3 =	sld [smem:$0x3FFD];
	_ =	sdelay $0x3  }
0x96: {  	_ =	strace s3  }
0x97: {  	_ =	strace $0x8FFFFFFF  }
0x98: {  	s19 =	sld [smem:$0x3FDB];
	_ =	sdelay $0x1  }
0x99: {  	s4 =	simm.s32 $_scs_section_size  }
0x9a: {  	s5 =	simm.s32 $_size__tile_overlayer_lowered;
	s6 =	simm.s32 $_tile_overlayer_lowered  }
0x9b: {  	s22 =	simm.s32 $0x1BFF;
	s21 =	sshll.u32 s6, $0x1;
	s3 =	sadd.s32 s4, s19  }
0x9c: {  	s7 =	simm.s32 $0x0;
	s20 =	sshll.u32 s5, $0x1;
	s5 =	sadd.s32 s21, s3  }
0x9d: {  	[timem:s7], [sflag:s22] =	dma.local [hbm:s5], s20  }
0x9e: {  	_ =	swait.ge [sflag:s22], s20  }
0x9f: {  	s4 =	ssub.s32 $0x0, s20;
	[sflag:s22] =	ssyncset.done $0x0  }
0xa0: {  	[sflag:s22] =	ssyncadd.s32 s4;
	_ =	sdelay $0x1  }
0xa1: {  	s23 =	simm.s32 $0x1B8B  }
0xa2: {  	_ =	swait.ge [sflag:s23], $0x1  }
0xa3: {  	[sflag:s23] =	ssyncset.done $0x0  }
0xa4: {  	s25 =	simm.s32 $0x1B8E;
	s24 =	sld [smem:$0x3FFE];
	[sflag:s23] =	ssyncadd.s32 $0xFFFFFFFF  }
0xa5: {  	s26 =	simm.s32 $execute0_lowered;
	[smem:$0x3FD2] =	sst s25  }
0xa6: {  	s5 =	sshll.u32 s26, $0x1;
	_ =	strace $0x80000046;
	[dreg:$0x1] =	wrdreg $0xFFFFFFFF  }
0xa7: {  	s28 =	simm.s32 $_size_execute0_lowered;
	s3 =	sadd.s32 s3, s5;
	[dreg:$0x0] =	wrdreg $0x0  }
0xa8: {  	s5 =	sshll.u32 s28, $0x1;
	[dreg:$0x2] =	wrdreg s3  }
0xa9: {  	[dreg:$0x3] =	wrdreg s5  }
0xaa: {  	[dreg:$0x4] =	wrdreg $0xC0  }
0xab: {  	_ =	task [dreg:s7], $0x5FFFF  }
0xac: {  	[dreg:$0x1] =	wrdreg $0xFFFFFFFF  }
0xad: {  	[dreg:$0x0] =	wrdreg $0x60  }
0xae: {  	[dreg:$0x2] =	wrdreg s2  }
0xaf: {  	[dreg:$0x3] =	wrdreg s24  }
0xb0: {  	[dreg:$0x4] =	wrdreg $0x68000  }
0xb1: {  	[dreg:$0x5] =	wrdreg $0x9  }
0xb2: {  	_ =	task.clear_ibuf [dreg:s7], $0x6FFFF;
	_ =	strace $0x90000046  }
0xb3: {  	s29 =	simm.s32 $0x9;
	_ =	strace $0x80000048  }
0xb4: {  	_ =	swait.ge [sflag:s29], $0x1  }
0xb5: {  	[sflag:s29] =	ssyncadd.s32 $0xFFFFFFFF  }
0xb6: {  	_ =	strace $0x90000048  }
0xb7: {  	_ =	sfence  }
0xb8: {  	s30 =	sld [smem:$0x0];
	_ =	sdelay $0x2  }
0xb9: {  	s31 =	sshll.u32 s1, $0xD;
	s1 =	sshrl.u32 s1, $0x2  }
0xba: {  	s3 =	sand.u32 $0x4000, s31;
	s1 =	sadd.s32 s1, s30  }
0xbb: {  	s0 =	sor.u32 s3, s0;
	s1 =	sshll.u32 s1, $0x11  }
0xbc: {  	s0 =	sor.u32 s1, s0  }
0xbd: {  	s0 =	sadd.s32 $0x8F2B, s0  }
0xbe: {  	[sflag:s0] =	ssyncadd.remote.s32 $0x1  }
0xbf: {  	_ =	sfence.sel $0xFFFF  }
0xc0: {  	[dreg:$0x0] =	wrdreg $0xFFFFFFFF;
	(pc) =	sbr.abs _section_cstart, $3  }
0xc1: {  	[dreg:$0x1] =	wrdreg $0xFFFFFFFF  }
0xc2: {  	_ =	task.clear_ibuf [dreg:s7], $0x2FFFF;
	_ =	strace $0x9FFFFFFF  }
0xc3: {  	(tm) =	ssettm $0x7FFFFFFF  }
tec
execute0_lowered:
.L_overlay_start_1:
0x0: {  	(tag) =	ssettag $0x1  }
0x1: {  	s5 =	rddreg [dreg:$0x0]  }
0x2: {  	s6 =	rddreg [dreg:$0x1]  }
0x3: {  	s2 =	rddreg [dreg:$0x2]  }
0x4: {  	s0 =	rddreg [dreg:$0x3];
	s1 =	stileid.u32  }
0x5: {  	s4 =	srdreg.scid;
	s3 =	simm.s32 $0x0;
	s13 =	simm.s32 $0x7D  }
0x6: {  	s14 =	simm.s32 $0x0;
	s7 =	smul.u32 $0x13C00, s1;
	s8 =	sand.u32 $0x1, s4  }
0x7: {  	[smem:$0x7FF] =	sst s3;
	s4 =	sadd.s32 $0x29600, s6;
	s28 =	smul.u32 $0x4F000, s1  }
0x8: {  	s26 =	sshll.u32 s1, $0x1;
	s31 =	sshll.u32 s1, $0x6;
	s9 =	smul.u32 $0x13C000, s8  }
0x9: {  	_ =	strace $0x80000047;
	s11 =	ssub.s32 $0x2, s8;
	s8 =	sor.u32 s8, s26  }
0xa: {  	s10 =	sshrl.u32 s7, $0x3;
	s12 =	sshrl.u32 s11, $0x1;
	s8 =	smul.u32 $0x500, s8  }
0xb: {  	s29 =	sshrl.u32 s28, $0x2;
	s10 =	sadd.s32 s10, s6;
	s7 =	sadd.s32 s7, s9  }
0xc: {  	s11 =	ssub.s32 s11, s12;
	s30 =	sadd.s32 s29, s2;
	s9 =	simm.s32 $0x1  }
0xd: {  	s7 =	sshrl.u32 s7, $0x3;
	s5 =	sadd.s32 s5, s8;
	s8 =	smax.u32 s11, $0x1  }
0xe: {  	s11 =	sor.u32 $0x1C01, s31;
	s12 =	sshrl.u32 s30, $0x3;
	s7 =	sadd.s32 s7, s6  }
0xf: {  	s6 =	sadd.s32 $0x1E00, s10;
	s10 =	simm.s32 $0x2800;
	s7 =	sadd.s32 $0x29E00, s7  }
.LBB2_1:
0x10: {  	[tilespmem:s3], [sflag:$0x1] =	stream.linear.gather [hbm4b:s5+s3], $0x2800, $0x38;
	[tilespmem:$0x8F80] =	vst v63  }
0x11: {  	_ =	swait.ge [sflag:s9], $0x2800  }
0x12: {  	[sflag:s9] =	ssyncset.done $0x0  }
0x13: {  	[sflag:s9] =	ssyncadd.s32 $0xFFFFD800  }
0x14: {  	[tilespmem:s10], [sflag:$0x1] =	stream.linear.gather [hbm4b:s4+s3], $0x3E80, $0x38;
	[tilespmem:$0x8F80] =	vst v63  }
0x15: {  	_ =	swait.ge [sflag:s9], $0x3E80  }
0x16: {  	[sflag:s9] =	ssyncset.done $0x0  }
0x17: {  	[sflag:s9] =	ssyncadd.s32 $0xFFFFC180  }
0x18: {  	[spmem:s12], [sflag:s11] =	dma.local [hbm:s6], $0x2780  }
0x19: {  	_ =	swait.ge [sflag:s9], $0x2780  }
0x1a: {  	[sflag:s9] =	ssyncset.done $0x0  }
0x1b: {  	[sflag:s9] =	ssyncadd.s32 $0xFFFFD880  }
0x1c: {  	s15 =	simm.s32 $0x0;
	[bflag:$0x0] =	sbarrier.arrive $0xFFFF  }
0x1d: {  	[spmem:s2] =	stream.indirect.scatter.add.f32 [tilespmem:s10], [sflag:$0x1], $0x10, s15, s13, $0xb8;
	[tilespmem:$0x8F80] =	vst v63  }
0x1e: {  	_ =	swait.ge [sflag:s9], $0x7D0  }
0x1f: {  	s15 =	simm.s32 $0x200;
	[sflag:s9] =	ssyncset.done $0x0  }
.LBB2_2:
0x20: {  	s16 =	sshra.s32 s15, $0x2;
	[sflag:s9] =	ssyncadd.s32 $0xFFFFF830;
	p0 =	sne.s32 s15, $0x9E00  }
0x21: {  	[spmem:s2] =	stream.indirect.scatter.add.f32 [tilespmem:s10], [sflag:$0x1], $0x10, s16, s13, $0xb8;
	[tilespmem:$0x8F80] =	vst v63  }
.Ltmp0:
0x22: {  	_ = 	snop;
	(pc) =	sbr.rel @p0 .LBB2_2-.Ltmp0, $4  }
0x23: {  	_ = 	snop  }
0x24: {  	s15 =	sadd.s32 $0x200, s15  }
0x25: {  	_ =	swait.ge [sflag:s9], $0x7D0  }
0x26: {  	[sflag:s9] =	ssyncset.done $0x0  }
0x27: {  	s14 =	sadd.s32 $0x1, s14  }
0x28: {  	[sflag:s9] =	ssyncadd.s32 $0xFFFFF830;
	p0 =	sne.s32 s14, s8  }
.Ltmp1:
0x29: {  	[bflag:$0x0] =	sbarrier.arrive $0xFFFF;
	(pc) =	sbr.rel @p0 .LBB2_1-.Ltmp1, $4  }
0x2a: {  	[hbm:s7], [sflag:s11] =	dma.local [spmem:s12], $0x2780  }
0x2b: {  	_ =	swait.ge [sflag:s9], $0x2780  }
0x2c: {  	[sflag:s9] =	ssyncset.done $0x0  }
0x2d: {  	[sflag:s9] =	ssyncadd.s32 $0xFFFFD880  }
0x2e: {  	_ =	sfence.sel $0x180000  }
0x2f: {  	[bflag:$0x0] =	sbarrier.arrive $0xFFFF  }
0x30: {  	p0 =	sne.s32 s1, $0x0;
	_ =	strace $0x90000047  }
0x31: {  	s0 =	sadd.s32 @!p0 $0x100000, s0;
	[bflag:$0x2] =	sbarrier.arrive $0xFFFF  }
0x32: {  	[sflag:s0] =	ssyncadd.tile.s32 @!p0 $0x1;
	_ =	shalt  }
.Lfunc_end2:
_tile_overlayer_lowered:
.L_overlay_start_2:
0x33: {  	(tag) =	ssettag $0x2  }
0x34: {  	s0 =	rddreg [dreg:$0x0];
	s2 =	stileid.u32  }
0x35: {  	s1 =	rddreg [dreg:$0x1];
	p0 =	sne.s32 s2, $0x0  }
0x36: {  	s3 =	rddreg [dreg:$0x2];
	[bflag:$0x3] =	sbarrier.arrive $0xFFFF;
	s2 =	simm.s32 @!p0 $0x1C01  }
0x37: {  	[timem:s3], [sflag:s2] =	dma.local @!p0 [hbm:s0], s1  }
0x38: {  	s0 =	simm.s32 @!p0 $0x1  }
0x39: {  	_ =	swait.ge @!p0 [sflag:s0], s1  }
0x3a: {  	s1 =	ssub.s32 @!p0 $0x0, s1;
	[sflag:s0] =	ssyncset.done @!p0 $0x0  }
0x3b: {  	[sflag:s0] =	ssyncadd.s32 @!p0 s1  }
0x3c: {  	[bflag:$0x3] =	sbarrier.arrive $0xFFFF  }
0x3d: {  	_ =	shalt  }

</sc_bundles>
